<compile_context>
chip_gen: v7x
topology: tpu7x:2x2x1
jax: 0.10.2.dev20260603
libtpu: 0.0.44.dev20260713+nightly
codegen_flags: <defaults>
</compile_context>

<pallas_src>
import functools

import jax
import jax.numpy as jnp
from jax import lax
from jax.experimental import pallas as pl
from jax.experimental.pallas import tpu as pltpu
from jax.experimental.pallas import tpu_sc as plsc

B = 4
N = 100000
F = 128
K = 50000
NPAD = 131072
LANES = 128
BLANES = 32
ROWS = NPAD // BLANES
SCORE_CHUNK = 4000


def _score_body(h_ref, w_ref, b_ref, s_ref, h2_ref):
    hb = h_ref[0]
    acc = lax.dot_general(hb.astype(jnp.bfloat16), w_ref[...].astype(jnp.bfloat16),
                          (((1,), (0,)), ((), ())),
                          preferred_element_type=jnp.float32)
    s = jax.nn.sigmoid(acc[:, 0] + b_ref[0])
    s_ref[0, 0] = s
    h2_ref[0] = hb * s[:, None]


def _scores_and_h2(h, W, b):
    nchunk = N // SCORE_CHUNK
    w_pad = jnp.zeros((F, 128), jnp.float32).at[:, 0].set(W[0])
    s, h2 = pl.pallas_call(
        _score_body,
        grid=(B, nchunk),
        in_specs=[
            pl.BlockSpec((1, SCORE_CHUNK, F), lambda i, j: (i, j, 0)),
            pl.BlockSpec((F, 128), lambda i, j: (0, 0)),
            pl.BlockSpec(memory_space=pltpu.SMEM),
        ],
        out_specs=[
            pl.BlockSpec((1, 1, SCORE_CHUNK), lambda i, j: (i * nchunk + j, 0, 0)),
            pl.BlockSpec((1, SCORE_CHUNK, F), lambda i, j: (i, j, 0)),
        ],
        out_shape=[
            jax.ShapeDtypeStruct((B * nchunk, 1, SCORE_CHUNK), jnp.float32),
            jax.ShapeDtypeStruct((B, N, F), jnp.float32),
        ],
    )(h, w_pad, b)
    return s.reshape(B, N), h2


def _partner(x, bit_hi, dist, size, axis):
    up = pltpu.roll(x, size - dist, axis=axis)
    dn = pltpu.roll(x, dist, axis=axis)
    return jnp.where(bit_hi, dn, up)


def _substep(key, idx, r_iota, c_iota, desc, e, axis, dist, size):
    if axis == 0:
        bit = (r_iota >> (e - 5)) & 1
    else:
        bit = (c_iota >> e) & 1
    bit_hi = bit == 1
    kp = _partner(key, bit_hi, dist, size, axis)
    ip = _partner(idx, bit_hi, dist, size, axis)
    f = (key > kp) | ((key == kp) & (idx < ip))
    lower = ~bit_hi
    keep = f == (lower == desc)
    return jnp.where(keep, key, kp), jnp.where(keep, idx, ip)


def _run_phase(key, idx, r_iota, c_iota, ek, rows):
    bk_lane = (c_iota >> jnp.minimum(ek, 4)) & 1
    bk_row = (r_iota >> jnp.maximum(ek - 5, 0)) & 1
    desc = jnp.where(ek <= 4, bk_lane, bk_row) == 0

    def rowstep(t, c):
        key, idx = c
        e = ek - 1 - t
        d = 1 << (e - 5)
        return _substep(key, idx, r_iota, c_iota, desc, e, 0, d, rows)

    key, idx = lax.fori_loop(0, jnp.maximum(ek - 5, 0), rowstep, (key, idx))

    def lanestep(t, c):
        key, idx = c
        e = 4 - t
        d = 1 << e
        return _substep(key, idx, r_iota, c_iota, desc, e, 1, d, LANES)

    return lax.fori_loop(5 - jnp.minimum(ek, 5), 5, lanestep, (key, idx))


def _sort_body(k_ref, ks_ref, is_ref):
    key = k_ref[...]
    r_iota = lax.broadcasted_iota(jnp.int32, (ROWS, LANES), 0)
    c_iota = lax.broadcasted_iota(jnp.int32, (ROWS, LANES), 1) & (BLANES - 1)
    idx = r_iota * BLANES + c_iota

    def phase(ek, carry):
        key, idx = carry
        return _run_phase(key, idx, r_iota, c_iota, ek, ROWS)

    key, idx = lax.fori_loop(1, 17, phase, (key, idx))
    key, idx = _substep(key, idx, r_iota, c_iota,
                        jnp.bool_(True), 16, 0, ROWS // 2, ROWS)
    HR = ROWS // 2
    kh, ih = key[:HR], idx[:HR]
    rh, ch = r_iota[:HR], c_iota[:HR]

    def phase17(t, carry):
        kh, ih = carry
        e = 15 - t
        d = 1 << (e - 5)
        return _substep(kh, ih, rh, ch, jnp.bool_(True), e, 0, d, HR)

    kh, ih = lax.fori_loop(0, 11, phase17, (kh, ih))

    def lane17(t, carry):
        kh, ih = carry
        e = 4 - t
        return _substep(kh, ih, rh, ch, jnp.bool_(True), e, 1, 1 << e, LANES)

    kh, ih = lax.fori_loop(0, 5, lane17, (kh, ih))
    ks_ref[...] = kh
    is_ref[...] = ih


def _sort_grid(keys_grid):
    return pl.pallas_call(
        _sort_body,
        out_shape=[
            jax.ShapeDtypeStruct((ROWS // 2, LANES), jnp.float32),
            jax.ShapeDtypeStruct((ROWS // 2, LANES), jnp.int32),
        ],
    )(keys_grid)


_WPB = 8
_WIN = 400
_BIG = 6400
_KPAD = 50048


def _gather_topk(h2, idx):
    mesh = plsc.VectorSubcoreMesh(core_axis_name="c", subcore_axis_name="s")
    idx_flat = jnp.pad(idx, ((0, 0), (0, _KPAD - K))).reshape(B * _KPAD)

    @functools.partial(
        pl.kernel,
        mesh=mesh,
        out_type=jax.ShapeDtypeStruct((B, K, F), jnp.float32),
        scratch_types=[
            pltpu.VMEM((_WIN,), jnp.int32),
            pltpu.VMEM((_WIN, F), jnp.float32),
            pltpu.SemaphoreType.DMA,
        ],
    )
    def gather_k(h2_hbm, idx_hbm, out_hbm, idx_v, rows_v, sem):
        wid = lax.axis_index("s") * 2 + lax.axis_index("c")
        bat = wid // _WPB
        wb = wid % _WPB
        base = wb * _BIG
        nwin = jnp.where(wb == _WPB - 1, (K - (_WPB - 1) * _BIG) // _WIN,
                         _BIG // _WIN)

        def win(i, carry):
            off = base + i * _WIN
            pltpu.sync_copy(idx_hbm.at[pl.ds(bat * _KPAD + off, _WIN)], idx_v)
            pltpu.async_copy(h2_hbm.at[bat].at[idx_v], rows_v, sem).wait()
            pltpu.sync_copy(rows_v, out_hbm.at[bat, pl.ds(off, _WIN)])
            return carry

        lax.fori_loop(0, nwin, win, 0)

    return gather_k(h2, idx_flat)


def kernel(h, W, b):
    s, h2 = _scores_and_h2(h, W, b)
    s_pad = jnp.pad(s, ((0, 0), (0, NPAD - N)), constant_values=-1.0)
    grid = s_pad.reshape(B, ROWS, BLANES).transpose(1, 0, 2).reshape(ROWS, LANES)
    _, idx_grid = _sort_grid(grid)
    idx_sorted = (idx_grid.reshape(ROWS // 2, B, BLANES)
                  .transpose(1, 0, 2).reshape(B, NPAD // 2)[:, :K])
    return _gather_topk(h2, idx_sorted)

# --- scband reference (transcript-rebuilt; emitter-appended) ---
"""Pipeline reference for scband-graph-pool-36069135352326 (READ-ONLY COPY).

The authoritative reference and input builder live on the scoring server;
editing this copy changes nothing except your own understanding.
"""

import jax, jax.numpy as jnp
import numpy as np

K_RATIO = 0.5


def setup_inputs(seed: int = 0) -> dict:
    key = jax.random.key(seed)
    k1, k2, k3 = jax.random.split(key, 3)
    h = jax.random.normal(k1, (4, 100000, 128), dtype=jnp.float32)
    # Learned params of nn.Linear(in_dim=128, 1): weight [1,128], bias [1]
    W = jax.random.normal(k2, (1, 128), dtype=jnp.float32) * 0.05
    b = jax.random.normal(k3, (1,), dtype=jnp.float32) * 0.05
    return {"h": h, "W": W, "b": b}


def reference(h, W, b):
    # dropout p=0 -> Identity
    z = h
    weights = jnp.einsum('bnf,of->bno', z, W) + b  # [B, N, 1]
    scores = jax.nn.sigmoid(weights)               # [B, N, 1]
    B, N, F = h.shape
    n_keep = max(int(N * K_RATIO), 1)
    s = jnp.squeeze(scores, axis=-1)               # [B, N]
    _, idx = jax.lax.top_k(s, n_keep)              # [B, n_keep]
    h2 = h * scores                                # gate features by scores
    idx_e = jnp.broadcast_to(idx[:, :, None], (B, n_keep, F))
    out = jnp.take_along_axis(h2, idx_e, axis=1)   # gather top-k nodes
    return out

if __name__ == "__main__":
    import jax
    _d = setup_inputs()
    print(jax.jit(kernel)(*tuple(_d.values())))

</pallas_src>

<mosaic_0001>
#map = affine_map<(d0, d1) -> (0, 0, 0)>
#map1 = affine_map<(d0, d1) -> (0)>
module attributes {stable_mosaic.version = 14 : i64} {
  func.func @gather_k(%arg0: i32, %arg1: i32, %arg2: memref<4x100000x128xf32, #tpu.memory_space<hbm>>, %arg3: memref<200192xi32, #tpu.memory_space<hbm>>, %arg4: memref<4x50000x128xf32, #tpu.memory_space<hbm>>, %arg5: memref<400xi32, #tpu.memory_space<vmem>>, %arg6: memref<400x128xf32, #tpu.memory_space<vmem>>, %arg7: memref<!tpu.dma_semaphore, #tpu.memory_space<semaphore_mem>>) attributes {dimension_semantics = [#tpu.dimension_semantics<core_parallel>, #tpu.dimension_semantics<subcore_parallel>], iteration_bounds = array<i64: 2, 16>, scalar_prefetch = 0 : i64, scratch_operands = 3 : i64, tpu.core_type = #tpu.core_type<sc_vector_subcore>, window_params = [{transform_indices = #map}, {transform_indices = #map1}, {transform_indices = #map}]} {
    %mul3A = arith.constant 2 : i32
    %mul3A_0 = arith.muli %arg1, %mul3A : i32
    %add3A = arith.addi %mul3A_0, %arg0 : i32
    %jit3A = arith.constant 8 : i32
    %div3A = arith.divsi %add3A, %jit3A : i32
    %sign3A = arith.constant 0 : i32
    %sign3A_1 = arith.cmpi sgt, %add3A, %sign3A : i32
    %sign3A_2 = arith.extui %sign3A_1 : i1 to i32
    %sign3A_3 = arith.constant 0 : i32
    %sign3A_4 = arith.cmpi slt, %add3A, %sign3A_3 : i32
    %sign3A_5 = arith.extui %sign3A_4 : i1 to i32
    %sign3A_6 = arith.subi %sign3A_2, %sign3A_5 : i32
    %sign3A_7 = arith.constant 0 : i32
    %sign3A_8 = arith.cmpi sgt, %jit3A, %sign3A_7 : i32
    %sign3A_9 = arith.extui %sign3A_8 : i1 to i32
    %sign3A_10 = arith.constant 0 : i32
    %sign3A_11 = arith.cmpi slt, %jit3A, %sign3A_10 : i32
    %sign3A_12 = arith.extui %sign3A_11 : i1 to i32
    %sign3A_13 = arith.subi %sign3A_9, %sign3A_12 : i32
    %ne3A = arith.cmpi ne, %sign3A_6, %sign3A_13 : i32
    %rem3A = arith.remsi %add3A, %jit3A : i32
    %ne3A_14 = arith.constant 0 : i32
    %ne3A_15 = arith.cmpi ne, %rem3A, %ne3A_14 : i32
    %and3A = arith.andi %ne3A, %ne3A_15 : i1
    %sub3A = arith.constant 1 : i32
    %sub3A_16 = arith.subi %div3A, %sub3A : i32
    %select_n3A = arith.select %and3A, %sub3A_16, %div3A : i32
    %jit3A_17 = arith.constant 8 : i32
    %eq3A = arith.constant 0 : i32
    %eq3A_18 = arith.cmpi eq, %jit3A_17, %eq3A : i32
    %jit3A_19 = arith.constant 1 : i32
    %select_n3A_20 = arith.select %eq3A_18, %jit3A_19, %jit3A_17 : i32
    %rem3A_21 = arith.remsi %add3A, %select_n3A_20 : i32
    %ne3A_22 = arith.constant 0 : i32
    %ne3A_23 = arith.cmpi ne, %rem3A_21, %ne3A_22 : i32
    %lt3A = arith.constant 0 : i32
    %lt3A_24 = arith.cmpi slt, %rem3A_21, %lt3A : i32
    %lt3A_25 = arith.constant 0 : i32
    %lt3A_26 = arith.cmpi slt, %select_n3A_20, %lt3A_25 : i32
    %ne3A_27 = arith.xori %lt3A_24, %lt3A_26 : i1
    %and3A_28 = arith.andi %ne3A_27, %ne3A_23 : i1
    %add3A_29 = arith.addi %rem3A_21, %select_n3A_20 : i32
    %select_n3A_30 = arith.select %and3A_28, %add3A_29, %rem3A_21 : i32
    %mul3A_31 = arith.constant 6400 : i32
    %mul3A_32 = arith.muli %select_n3A_30, %mul3A_31 : i32
    %eq3A_33 = arith.constant 7 : i32
    %eq3A_34 = arith.cmpi eq, %select_n3A_30, %eq3A_33 : i32
    %jit3A_35 = arith.constant 13 : i32
    %jit3A_36 = arith.constant 16 : i32
    %select_n3A_37 = arith.select %eq3A_34, %jit3A_35, %jit3A_36 : i32
    %while3A = arith.constant 0 : i32
    %while3A_38 = arith.constant 0 : i32
    %while3A_39 = arith.subi %select_n3A_37, %while3A_38 : i32
    %while3A_40 = arith.addi %while3A_38, %while3A_39 : i32
    %while3A_41 = arith.constant 1 : i32
    %while3A_42 = arith.divsi %while3A_39, %while3A_41 : i32
    %while3A_43 = arith.muli %while3A_42, %while3A_41 : i32
    %while3A_44 = arith.addi %while3A_38, %while3A_43 : i32
    %while3A_45 = arith.constant 1 : i32
    scf.for %while3A_47 = %while3A_38 to %while3A_44 step %while3A_45  : i32 {
      %mul3A_48 = arith.constant 400 : i32
      %mul3A_49 = arith.muli %while3A_47, %mul3A_48 : i32
      %add3A_50 = arith.addi %mul3A_32, %mul3A_49 : i32
      %mul3A_51 = arith.constant 50048 : i32
      %mul3A_52 = arith.muli %select_n3A, %mul3A_51 : i32
      %add3A_53 = arith.addi %mul3A_52, %add3A_50 : i32
      "tpu.region"() ({
        %run_scoped3A = tpu.sem_alloc : memref<!tpu.dma_semaphore, #tpu.memory_space<semaphore_mem>>
        %dma_start3A_66 = tpu.memref_slice %arg3[%add3A_53] : memref<200192xi32, #tpu.memory_space<hbm>> -> memref<400xi32, #tpu.memory_space<hbm>>
        %dma_start3A_67 = tpu.memref_slice %arg3[%add3A_53] : memref<200192xi32, #tpu.memory_space<hbm>> -> memref<400xi32, #tpu.memory_space<hbm>>
        tpu.enqueue_dma source(%dma_start3A_67 : memref<400xi32, #tpu.memory_space<hbm>>) target(%arg5 : memref<400xi32, #tpu.memory_space<vmem>>) target_semaphore(%run_scoped3A : memref<!tpu.dma_semaphore, #tpu.memory_space<semaphore_mem>>)
        %dma_wait3A_68 = tpu.memref_slice %arg3[%add3A_53] : memref<200192xi32, #tpu.memory_space<hbm>> -> memref<400xi32, #tpu.memory_space<hbm>>
        %dma_wait3A_69 = tpu.memref_slice %arg3[%add3A_53] : memref<200192xi32, #tpu.memory_space<hbm>> -> memref<400xi32, #tpu.memory_space<hbm>>
        tpu.wait_dma2 semaphore(%run_scoped3A : memref<!tpu.dma_semaphore, #tpu.memory_space<semaphore_mem>>) src(%dma_wait3A_69 : memref<400xi32, #tpu.memory_space<hbm>>) dst(%arg5 : memref<400xi32, #tpu.memory_space<vmem>>)
        tpu.yield
      }) : () -> ()
      %dma_start3A = arith.constant 0 : i32
      %dma_start3A_54 = arith.constant 0 : i32
      %dma_start3A_55 = tpu.memref_slice %arg2[%select_n3A, %dma_start3A, %dma_start3A_54] : memref<4x100000x128xf32, #tpu.memory_space<hbm>> -> memref<1x100000x128xf32, #tpu.memory_space<hbm>>
      %dma_start3A_56 = tpu.memref_squeeze %dma_start3A_55 : memref<1x100000x128xf32, #tpu.memory_space<hbm>> -> memref<100000x128xf32, #tpu.memory_space<hbm>>
      %dma_start3A_57 = arith.constant 0 : i32
      %dma_start3A_58 = arith.constant 0 : i32
      %dma_start3A_59 = tpu.memref_slice %dma_start3A_56[%dma_start3A_57, %dma_start3A_58] : memref<100000x128xf32, #tpu.memory_space<hbm>> -> memref<100000x128xf32, #tpu.memory_space<hbm>>
      tpu.enqueue_indirect_dma source(%dma_start3A_59 : memref<100000x128xf32, #tpu.memory_space<hbm>>) target(%arg6 : memref<400x128xf32, #tpu.memory_space<vmem>>) offsets(%arg5 : memref<400xi32, #tpu.memory_space<vmem>>) semaphore(%arg7 : memref<!tpu.dma_semaphore, #tpu.memory_space<semaphore_mem>>)
      %dma_wait3A = arith.constant 0 : i32
      %dma_wait3A_60 = arith.constant 0 : i32
      %dma_wait3A_61 = tpu.memref_slice %arg2[%select_n3A, %dma_wait3A, %dma_wait3A_60] : memref<4x100000x128xf32, #tpu.memory_space<hbm>> -> memref<1x100000x128xf32, #tpu.memory_space<hbm>>
      %dma_wait3A_62 = tpu.memref_squeeze %dma_wait3A_61 : memref<1x100000x128xf32, #tpu.memory_space<hbm>> -> memref<100000x128xf32, #tpu.memory_space<hbm>>
      %dma_wait3A_63 = arith.constant 0 : i32
      %dma_wait3A_64 = arith.constant 0 : i32
      %dma_wait3A_65 = tpu.memref_slice %dma_wait3A_62[%dma_wait3A_63, %dma_wait3A_64] : memref<100000x128xf32, #tpu.memory_space<hbm>> -> memref<100000x128xf32, #tpu.memory_space<hbm>>
      tpu.wait_indirect_dma semaphore(%arg7 : memref<!tpu.dma_semaphore, #tpu.memory_space<semaphore_mem>>) src(%dma_wait3A_65 : memref<100000x128xf32, #tpu.memory_space<hbm>>) dst(%arg6 : memref<400x128xf32, #tpu.memory_space<vmem>>)
      "tpu.region"() ({
        %run_scoped3A = tpu.sem_alloc : memref<!tpu.dma_semaphore, #tpu.memory_space<semaphore_mem>>
        %dma_start3A_66 = arith.constant 0 : i32
        %dma_start3A_67 = tpu.memref_slice %arg4[%select_n3A, %add3A_50, %dma_start3A_66] : memref<4x50000x128xf32, #tpu.memory_space<hbm>> -> memref<1x400x128xf32, #tpu.memory_space<hbm>>
        %dma_start3A_68 = tpu.memref_squeeze %dma_start3A_67 : memref<1x400x128xf32, #tpu.memory_space<hbm>> -> memref<400x128xf32, #tpu.memory_space<hbm>>
        %dma_start3A_69 = arith.constant 0 : i32
        %dma_start3A_70 = tpu.memref_slice %arg4[%select_n3A, %add3A_50, %dma_start3A_69] : memref<4x50000x128xf32, #tpu.memory_space<hbm>> -> memref<1x400x128xf32, #tpu.memory_space<hbm>>
        %dma_start3A_71 = tpu.memref_squeeze %dma_start3A_70 : memref<1x400x128xf32, #tpu.memory_space<hbm>> -> memref<400x128xf32, #tpu.memory_space<hbm>>
        tpu.enqueue_dma source(%arg6 : memref<400x128xf32, #tpu.memory_space<vmem>>) target(%dma_start3A_71 : memref<400x128xf32, #tpu.memory_space<hbm>>) target_semaphore(%run_scoped3A : memref<!tpu.dma_semaphore, #tpu.memory_space<semaphore_mem>>)
        %dma_wait3A_72 = arith.constant 0 : i32
        %dma_wait3A_73 = tpu.memref_slice %arg4[%select_n3A, %add3A_50, %dma_wait3A_72] : memref<4x50000x128xf32, #tpu.memory_space<hbm>> -> memref<1x400x128xf32, #tpu.memory_space<hbm>>
        %dma_wait3A_74 = tpu.memref_squeeze %dma_wait3A_73 : memref<1x400x128xf32, #tpu.memory_space<hbm>> -> memref<400x128xf32, #tpu.memory_space<hbm>>
        %dma_wait3A_75 = arith.constant 0 : i32
        %dma_wait3A_76 = tpu.memref_slice %arg4[%select_n3A, %add3A_50, %dma_wait3A_75] : memref<4x50000x128xf32, #tpu.memory_space<hbm>> -> memref<1x400x128xf32, #tpu.memory_space<hbm>>
        %dma_wait3A_77 = tpu.memref_squeeze %dma_wait3A_76 : memref<1x400x128xf32, #tpu.memory_space<hbm>> -> memref<400x128xf32, #tpu.memory_space<hbm>>
        tpu.wait_dma2 semaphore(%run_scoped3A : memref<!tpu.dma_semaphore, #tpu.memory_space<semaphore_mem>>) src(%arg6 : memref<400x128xf32, #tpu.memory_space<vmem>>) dst(%dma_wait3A_77 : memref<400x128xf32, #tpu.memory_space<hbm>>)
        tpu.yield
      }) : () -> ()
    }
    %while3A_46 = arith.constant 1 : i32
    scf.for %while3A_47 = %while3A_44 to %while3A_40 step %while3A_46  : i32 {
      %mul3A_48 = arith.constant 400 : i32
      %mul3A_49 = arith.muli %while3A_47, %mul3A_48 : i32
      %add3A_50 = arith.addi %mul3A_32, %mul3A_49 : i32
      %mul3A_51 = arith.constant 50048 : i32
      %mul3A_52 = arith.muli %select_n3A, %mul3A_51 : i32
      %add3A_53 = arith.addi %mul3A_52, %add3A_50 : i32
      "tpu.region"() ({
        %run_scoped3A = tpu.sem_alloc : memref<!tpu.dma_semaphore, #tpu.memory_space<semaphore_mem>>
        %dma_start3A_66 = tpu.memref_slice %arg3[%add3A_53] : memref<200192xi32, #tpu.memory_space<hbm>> -> memref<400xi32, #tpu.memory_space<hbm>>
        %dma_start3A_67 = tpu.memref_slice %arg3[%add3A_53] : memref<200192xi32, #tpu.memory_space<hbm>> -> memref<400xi32, #tpu.memory_space<hbm>>
        tpu.enqueue_dma source(%dma_start3A_67 : memref<400xi32, #tpu.memory_space<hbm>>) target(%arg5 : memref<400xi32, #tpu.memory_space<vmem>>) target_semaphore(%run_scoped3A : memref<!tpu.dma_semaphore, #tpu.memory_space<semaphore_mem>>)
        %dma_wait3A_68 = tpu.memref_slice %arg3[%add3A_53] : memref<200192xi32, #tpu.memory_space<hbm>> -> memref<400xi32, #tpu.memory_space<hbm>>
        %dma_wait3A_69 = tpu.memref_slice %arg3[%add3A_53] : memref<200192xi32, #tpu.memory_space<hbm>> -> memref<400xi32, #tpu.memory_space<hbm>>
        tpu.wait_dma2 semaphore(%run_scoped3A : memref<!tpu.dma_semaphore, #tpu.memory_space<semaphore_mem>>) src(%dma_wait3A_69 : memref<400xi32, #tpu.memory_space<hbm>>) dst(%arg5 : memref<400xi32, #tpu.memory_space<vmem>>)
        tpu.yield
      }) : () -> ()
      %dma_start3A = arith.constant 0 : i32
      %dma_start3A_54 = arith.constant 0 : i32
      %dma_start3A_55 = tpu.memref_slice %arg2[%select_n3A, %dma_start3A, %dma_start3A_54] : memref<4x100000x128xf32, #tpu.memory_space<hbm>> -> memref<1x100000x128xf32, #tpu.memory_space<hbm>>
      %dma_start3A_56 = tpu.memref_squeeze %dma_start3A_55 : memref<1x100000x128xf32, #tpu.memory_space<hbm>> -> memref<100000x128xf32, #tpu.memory_space<hbm>>
      %dma_start3A_57 = arith.constant 0 : i32
      %dma_start3A_58 = arith.constant 0 : i32
      %dma_start3A_59 = tpu.memref_slice %dma_start3A_56[%dma_start3A_57, %dma_start3A_58] : memref<100000x128xf32, #tpu.memory_space<hbm>> -> memref<100000x128xf32, #tpu.memory_space<hbm>>
      tpu.enqueue_indirect_dma source(%dma_start3A_59 : memref<100000x128xf32, #tpu.memory_space<hbm>>) target(%arg6 : memref<400x128xf32, #tpu.memory_space<vmem>>) offsets(%arg5 : memref<400xi32, #tpu.memory_space<vmem>>) semaphore(%arg7 : memref<!tpu.dma_semaphore, #tpu.memory_space<semaphore_mem>>)
      %dma_wait3A = arith.constant 0 : i32
      %dma_wait3A_60 = arith.constant 0 : i32
      %dma_wait3A_61 = tpu.memref_slice %arg2[%select_n3A, %dma_wait3A, %dma_wait3A_60] : memref<4x100000x128xf32, #tpu.memory_space<hbm>> -> memref<1x100000x128xf32, #tpu.memory_space<hbm>>
      %dma_wait3A_62 = tpu.memref_squeeze %dma_wait3A_61 : memref<1x100000x128xf32, #tpu.memory_space<hbm>> -> memref<100000x128xf32, #tpu.memory_space<hbm>>
      %dma_wait3A_63 = arith.constant 0 : i32
      %dma_wait3A_64 = arith.constant 0 : i32
      %dma_wait3A_65 = tpu.memref_slice %dma_wait3A_62[%dma_wait3A_63, %dma_wait3A_64] : memref<100000x128xf32, #tpu.memory_space<hbm>> -> memref<100000x128xf32, #tpu.memory_space<hbm>>
      tpu.wait_indirect_dma semaphore(%arg7 : memref<!tpu.dma_semaphore, #tpu.memory_space<semaphore_mem>>) src(%dma_wait3A_65 : memref<100000x128xf32, #tpu.memory_space<hbm>>) dst(%arg6 : memref<400x128xf32, #tpu.memory_space<vmem>>)
      "tpu.region"() ({
        %run_scoped3A = tpu.sem_alloc : memref<!tpu.dma_semaphore, #tpu.memory_space<semaphore_mem>>
        %dma_start3A_66 = arith.constant 0 : i32
        %dma_start3A_67 = tpu.memref_slice %arg4[%select_n3A, %add3A_50, %dma_start3A_66] : memref<4x50000x128xf32, #tpu.memory_space<hbm>> -> memref<1x400x128xf32, #tpu.memory_space<hbm>>
        %dma_start3A_68 = tpu.memref_squeeze %dma_start3A_67 : memref<1x400x128xf32, #tpu.memory_space<hbm>> -> memref<400x128xf32, #tpu.memory_space<hbm>>
        %dma_start3A_69 = arith.constant 0 : i32
        %dma_start3A_70 = tpu.memref_slice %arg4[%select_n3A, %add3A_50, %dma_start3A_69] : memref<4x50000x128xf32, #tpu.memory_space<hbm>> -> memref<1x400x128xf32, #tpu.memory_space<hbm>>
        %dma_start3A_71 = tpu.memref_squeeze %dma_start3A_70 : memref<1x400x128xf32, #tpu.memory_space<hbm>> -> memref<400x128xf32, #tpu.memory_space<hbm>>
        tpu.enqueue_dma source(%arg6 : memref<400x128xf32, #tpu.memory_space<vmem>>) target(%dma_start3A_71 : memref<400x128xf32, #tpu.memory_space<hbm>>) target_semaphore(%run_scoped3A : memref<!tpu.dma_semaphore, #tpu.memory_space<semaphore_mem>>)
        %dma_wait3A_72 = arith.constant 0 : i32
        %dma_wait3A_73 = tpu.memref_slice %arg4[%select_n3A, %add3A_50, %dma_wait3A_72] : memref<4x50000x128xf32, #tpu.memory_space<hbm>> -> memref<1x400x128xf32, #tpu.memory_space<hbm>>
        %dma_wait3A_74 = tpu.memref_squeeze %dma_wait3A_73 : memref<1x400x128xf32, #tpu.memory_space<hbm>> -> memref<400x128xf32, #tpu.memory_space<hbm>>
        %dma_wait3A_75 = arith.constant 0 : i32
        %dma_wait3A_76 = tpu.memref_slice %arg4[%select_n3A, %add3A_50, %dma_wait3A_75] : memref<4x50000x128xf32, #tpu.memory_space<hbm>> -> memref<1x400x128xf32, #tpu.memory_space<hbm>>
        %dma_wait3A_77 = tpu.memref_squeeze %dma_wait3A_76 : memref<1x400x128xf32, #tpu.memory_space<hbm>> -> memref<400x128xf32, #tpu.memory_space<hbm>>
        tpu.wait_dma2 semaphore(%run_scoped3A : memref<!tpu.dma_semaphore, #tpu.memory_space<semaphore_mem>>) src(%arg6 : memref<400x128xf32, #tpu.memory_space<vmem>>) dst(%dma_wait3A_77 : memref<400x128xf32, #tpu.memory_space<hbm>>)
        tpu.yield
      }) : () -> ()
    }
    return
  }
}

module attributes {stable_mosaic.version = 14 : i64} {
  func.func @_score_body(%arg0: i32, %arg1: i32, %arg2: memref<1x4000x128xf32, #tpu.memory_space<vmem>>, %arg3: memref<128x128xf32, #tpu.memory_space<vmem>>, %arg4: memref<1xf32, #tpu.memory_space<smem>>, %arg5: memref<1x1x4000xf32, #tpu.memory_space<vmem>>, %arg6: memref<1x4000x128xf32, #tpu.memory_space<vmem>>) attributes {dimension_semantics = [#tpu.dimension_semantics<arbitrary>, #tpu.dimension_semantics<arbitrary>], iteration_bounds = array<i64: 4, 25>, scalar_prefetch = 0 : i64, scratch_operands = 0 : i64, tpu.core_type = #tpu.core_type<tc>, window_params = [{transform_indices = @transform_0, window_bounds = array<i64: 1, 4000, 128>}, {pipeline_mode = #tpu.pipeline_mode<synchronous>, transform_indices = @transform_1, window_bounds = array<i64: 128, 128>}, {transform_indices = @transform_2, window_bounds = array<i64: 1>}, {transform_indices = @transform_3, window_bounds = array<i64: 1, 1, 4000>}, {transform_indices = @transform_4, window_bounds = array<i64: 1, 4000, 128>}]} {
    %get3A = arith.constant 0 : index
    %get3A_0 = arith.constant 0 : index
    %get3A_1 = arith.constant 0 : index
    %get3A_2 = vector.load %arg2[%get3A, %get3A_0, %get3A_1] : memref<1x4000x128xf32, #tpu.memory_space<vmem>>, vector<1x4000x128xf32>
    %get3A_3 = vector.shape_cast %get3A_2 : vector<1x4000x128xf32> to vector<4000x128xf32>
    %convert_element_type3A = arith.truncf %get3A_3 : vector<4000x128xf32> to vector<4000x128xbf16>
    %get3A_4 = arith.constant 0 : index
    %get3A_5 = arith.constant 0 : index
    %get3A_6 = vector.load %arg3[%get3A_4, %get3A_5] : memref<128x128xf32, #tpu.memory_space<vmem>>, vector<128x128xf32>
    %convert_element_type3A_7 = arith.truncf %get3A_6 : vector<128x128xf32> to vector<128x128xbf16>
    %dot_general3A = arith.constant dense<0.000000e+00> : vector<4000x128xf32>
    %dot_general3A_8 = tpu.matmul %convert_element_type3A, %convert_element_type3A_7, %dot_general3A {dimension_numbers = #tpu.dot_dimension_numbers<[1], [0], [0], [1], [0, 0, 1, 1], [], []>, transpose_lhs_hint = false} : vector<4000x128xbf16>, vector<128x128xbf16>, vector<4000x128xf32> -> vector<4000x128xf32>
    %slice3A = vector.extract_strided_slice %dot_general3A_8 {offsets = [0, 0], sizes = [4000, 1], strides = [1, 1]} : vector<4000x128xf32> to vector<4000x1xf32>
    %squeeze3A = vector.shape_cast %slice3A : vector<4000x1xf32> to vector<4000xf32>
    %get3A_9 = arith.constant 0 : index
    %get3A_10 = memref.load %arg4[%get3A_9] : memref<1xf32, #tpu.memory_space<smem>>
    %add3A = vector.broadcast %get3A_10 : f32 to vector<4000xf32>
    %add3A_11 = arith.addf %squeeze3A, %add3A : vector<4000xf32>
    %logistic3A = arith.negf %add3A_11 : vector<4000xf32>
    %logistic3A_12 = math.exp %logistic3A : vector<4000xf32>
    %logistic3A_13 = arith.constant 1.000000e+00 : f32
    %logistic3A_14 = vector.broadcast %logistic3A_13 : f32 to vector<4000xf32>
    %logistic3A_15 = arith.addf %logistic3A_14, %logistic3A_12 : vector<4000xf32>
    %logistic3A_16 = arith.divf %logistic3A_14, %logistic3A_15 : vector<4000xf32>
    %swap3A = arith.constant 0 : index
    %swap3A_17 = arith.constant 0 : index
    %swap3A_18 = arith.constant 0 : index
    %swap3A_19 = vector.load %arg5[%swap3A, %swap3A_17, %swap3A_18] : memref<1x1x4000xf32, #tpu.memory_space<vmem>>, vector<1x1x4000xf32>
    %swap3A_20 = vector.shape_cast %swap3A_19 : vector<1x1x4000xf32> to vector<4000xf32>
    %swap3A_21 = vector.shape_cast %logistic3A_16 : vector<4000xf32> to vector<1x1x4000xf32>
    tpu.vector_store %arg5[%swap3A, %swap3A_17, %swap3A_18], %swap3A_21 {strides = array<i32>} : memref<1x1x4000xf32, #tpu.memory_space<vmem>>, vector<1x1x4000xf32>,
    %broadcast_in_dim3A = vector.shape_cast %logistic3A_16 : vector<4000xf32> to vector<4000x1xf32>
    %mul3A = vector.broadcast %broadcast_in_dim3A : vector<4000x1xf32> to vector<4000x128xf32>
    %mul3A_22 = arith.mulf %get3A_3, %mul3A : vector<4000x128xf32>
    %swap3A_23 = arith.constant 0 : index
    %swap3A_24 = arith.constant 0 : index
    %swap3A_25 = arith.constant 0 : index
    %swap3A_26 = vector.load %arg6[%swap3A_23, %swap3A_24, %swap3A_25] : memref<1x4000x128xf32, #tpu.memory_space<vmem>>, vector<1x4000x128xf32>
    %swap3A_27 = vector.shape_cast %swap3A_26 : vector<1x4000x128xf32> to vector<4000x128xf32>
    %swap3A_28 = vector.shape_cast %mul3A_22 : vector<4000x128xf32> to vector<1x4000x128xf32>
    tpu.vector_store %arg6[%swap3A_23, %swap3A_24, %swap3A_25], %swap3A_28 {strides = array<i32>} : memref<1x4000x128xf32, #tpu.memory_space<vmem>>, vector<1x4000x128xf32>,
    return
  }
  func.func @transform_0(%arg0: i32, %arg1: i32) -> (i32, i32, i32) {
    %c0_i32 = arith.constant 0 : i32
    %c0_i32_0 = arith.constant 0 : i32
    return %arg0, %arg1, %c0_i32 : i32, i32, i32
  }
  func.func @transform_1(%arg0: i32, %arg1: i32) -> (i32, i32) {
    %c0_i32 = arith.constant 0 : i32
    %c0_i32_0 = arith.constant 0 : i32
    %c0_i32_1 = arith.constant 0 : i32
    return %c0_i32, %c0_i32_0 : i32, i32
  }
  func.func @transform_2(%arg0: i32, %arg1: i32) -> i32 {
    %c0_i32 = arith.constant 0 : i32
    %c0_i32_0 = arith.constant 0 : i32
    return %c0_i32 : i32
  }
  func.func @transform_3(%arg0: i32, %arg1: i32) -> (i32, i32, i32) {
    %mul3A = arith.constant 25 : i32
    %mul3A_0 = arith.muli %arg0, %mul3A : i32
    %add3A = arith.addi %mul3A_0, %arg1 : i32
    %c0_i32 = arith.constant 0 : i32
    %c0_i32_1 = arith.constant 0 : i32
    %c0_i32_2 = arith.constant 0 : i32
    return %add3A, %c0_i32, %c0_i32_1 : i32, i32, i32
  }
  func.func @transform_4(%arg0: i32, %arg1: i32) -> (i32, i32, i32) {
    %c0_i32 = arith.constant 0 : i32
    %c0_i32_0 = arith.constant 0 : i32
    return %arg0, %arg1, %c0_i32 : i32, i32, i32
  }
}

module attributes {stable_mosaic.version = 14 : i64} {
  func.func @_sort_body(%arg0: memref<4096x128xf32, #tpu.memory_space<vmem>>, %arg1: memref<2048x128xf32, #tpu.memory_space<vmem>>, %arg2: memref<2048x128xi32, #tpu.memory_space<vmem>>) attributes {dimension_semantics = [], scalar_prefetch = 0 : i64, scratch_operands = 0 : i64, tpu.core_type = #tpu.core_type<tc>} {
    %get3A = arith.constant 0 : index
    %get3A_0 = arith.constant 0 : index
    %get3A_1 = vector.load %arg0[%get3A, %get3A_0] : memref<4096x128xf32, #tpu.memory_space<vmem>>, vector<4096x128xf32>
    %iota3A = tpu.iota {dimensions = array<i32: 0>} : vector<4096x128xi32>
    %iota3A_2 = tpu.iota {dimensions = array<i32: 1>} : vector<4096x128xi32>
    %and3A = arith.constant 31 : i32
    %and3A_3 = vector.broadcast %and3A : i32 to vector<4096x128xi32>
    %and3A_4 = arith.andi %iota3A_2, %and3A_3 : vector<4096x128xi32>
    %mul3A = arith.constant 32 : i32
    %mul3A_5 = vector.broadcast %mul3A : i32 to vector<4096x128xi32>
    %mul3A_6 = arith.muli %iota3A, %mul3A_5 : vector<4096x128xi32>
    %add3A = arith.addi %mul3A_6, %and3A_4 : vector<4096x128xi32>
    %scan3A = arith.constant 1 : i32
    %scan3A_7 = arith.constant 16 : i32
    %scan3A_8 = arith.addi %scan3A, %scan3A_7 : i32
    %scan3A_9 = arith.constant 1 : i32
    %scan3A_10:2 = scf.for %scan3A_61 = %scan3A to %scan3A_8 step %scan3A_9 iter_args(%scan3A_62 = %get3A_1, %scan3A_63 = %add3A) -> (vector<4096x128xf32>, vector<4096x128xi32>)  : i32 {
      %min3A = arith.constant 4 : i32
      %min3A_64 = arith.minsi %scan3A_61, %min3A : i32
      %shift_right_arithmetic3A_65 = vector.broadcast %min3A_64 : i32 to vector<4096x128xi32>
      %shift_right_arithmetic3A_66 = arith.shrsi %and3A_4, %shift_right_arithmetic3A_65 : vector<4096x128xi32>
      %and3A_67 = arith.constant 1 : i32
      %and3A_68 = vector.broadcast %and3A_67 : i32 to vector<4096x128xi32>
      %and3A_69 = arith.andi %shift_right_arithmetic3A_66, %and3A_68 : vector<4096x128xi32>
      %sub3A = arith.constant 5 : i32
      %sub3A_70 = arith.subi %scan3A_61, %sub3A : i32
      %max3A = arith.constant 0 : i32
      %max3A_71 = arith.maxsi %sub3A_70, %max3A : i32
      %shift_right_arithmetic3A_72 = vector.broadcast %max3A_71 : i32 to vector<4096x128xi32>
      %shift_right_arithmetic3A_73 = arith.shrsi %iota3A, %shift_right_arithmetic3A_72 : vector<4096x128xi32>
      %and3A_74 = arith.constant 1 : i32
      %and3A_75 = vector.broadcast %and3A_74 : i32 to vector<4096x128xi32>
      %and3A_76 = arith.andi %shift_right_arithmetic3A_73, %and3A_75 : vector<4096x128xi32>
      %le3A = arith.constant 4 : i32
      %le3A_77 = arith.cmpi sle, %scan3A_61, %le3A : i32
      %select_n3A_78 = arith.select %le3A_77, %and3A_69, %and3A_76 : vector<4096x128xi32>
      %eq3A_79 = arith.constant 0 : i32
      %eq3A_80 = vector.broadcast %eq3A_79 : i32 to vector<4096x128xi32>
      %eq3A_81 = arith.cmpi eq, %select_n3A_78, %eq3A_80 : vector<4096x128xi32>
      %sub3A_82 = arith.constant 5 : i32
      %sub3A_83 = arith.subi %scan3A_61, %sub3A_82 : i32
      %max3A_84 = arith.constant 0 : i32
      %max3A_85 = arith.maxsi %sub3A_83, %max3A_84 : i32
      %while3A = arith.constant 0 : i32
      %while3A_86 = arith.subi %max3A_85, %while3A : i32
      %while3A_87 = arith.addi %while3A, %while3A_86 : i32
      %while3A_88 = arith.constant 1 : i32
      %while3A_89 = arith.divsi %while3A_86, %while3A_88 : i32
      %while3A_90 = arith.muli %while3A_89, %while3A_88 : i32
      %while3A_91 = arith.addi %while3A, %while3A_90 : i32
      %while3A_92 = arith.constant 1 : i32
      %while3A_93:2 = scf.for %while3A_111 = %while3A to %while3A_91 step %while3A_92 iter_args(%while3A_112 = %scan3A_62, %while3A_113 = %scan3A_63) -> (vector<4096x128xf32>, vector<4096x128xi32>)  : i32 {
        %sub3A_114 = arith.constant 1 : i32
        %sub3A_115 = arith.subi %scan3A_61, %sub3A_114 : i32
        %sub3A_116 = arith.subi %sub3A_115, %while3A_111 : i32
        %sub3A_117 = arith.constant 5 : i32
        %sub3A_118 = arith.subi %sub3A_116, %sub3A_117 : i32
        %shift_left3A = arith.constant 1 : i32
        %shift_left3A_119 = arith.shli %shift_left3A, %sub3A_118 : i32
        %sub3A_120 = arith.constant 5 : i32
        %sub3A_121 = arith.subi %sub3A_116, %sub3A_120 : i32
        %shift_right_arithmetic3A_122 = vector.broadcast %sub3A_121 : i32 to vector<4096x128xi32>
        %shift_right_arithmetic3A_123 = arith.shrsi %iota3A, %shift_right_arithmetic3A_122 : vector<4096x128xi32>
        %and3A_124 = arith.constant 1 : i32
        %and3A_125 = vector.broadcast %and3A_124 : i32 to vector<4096x128xi32>
        %and3A_126 = arith.andi %shift_right_arithmetic3A_123, %and3A_125 : vector<4096x128xi32>
        %eq3A_127 = arith.constant 1 : i32
        %eq3A_128 = vector.broadcast %eq3A_127 : i32 to vector<4096x128xi32>
        %eq3A_129 = arith.cmpi eq, %and3A_126, %eq3A_128 : vector<4096x128xi32>
        %sub3A_130 = arith.constant 4096 : i32
        %sub3A_131 = arith.subi %sub3A_130, %shift_left3A_119 : i32
        %roll3A_132 = tpu.dynamic_rotate %while3A_112 by %sub3A_131 dim 0 : vector<4096x128xf32>, i32 -> vector<4096x128xf32>
        %roll3A_133 = tpu.dynamic_rotate %while3A_112 by %shift_left3A_119 dim 0 : vector<4096x128xf32>, i32 -> vector<4096x128xf32>
        %select_n3A_134 = arith.select %eq3A_129, %roll3A_133, %roll3A_132 : vector<4096x128xi1>, vector<4096x128xf32>
        %sub3A_135 = arith.constant 4096 : i32
        %sub3A_136 = arith.subi %sub3A_135, %shift_left3A_119 : i32
        %roll3A_137 = tpu.dynamic_rotate %while3A_113 by %sub3A_136 dim 0 : vector<4096x128xi32>, i32 -> vector<4096x128xi32>
        %roll3A_138 = tpu.dynamic_rotate %while3A_113 by %shift_left3A_119 dim 0 : vector<4096x128xi32>, i32 -> vector<4096x128xi32>
        %select_n3A_139 = arith.select %eq3A_129, %roll3A_138, %roll3A_137 : vector<4096x128xi1>, vector<4096x128xi32>
        %gt3A_140 = arith.cmpf ogt, %while3A_112, %select_n3A_134 : vector<4096x128xf32>
        %eq3A_141 = arith.cmpf oeq, %while3A_112, %select_n3A_134 : vector<4096x128xf32>
        %lt3A_142 = arith.cmpi slt, %while3A_113, %select_n3A_139 : vector<4096x128xi32>
        %and3A_143 = arith.andi %eq3A_141, %lt3A_142 : vector<4096x128xi1>
        %or3A_144 = arith.ori %gt3A_140, %and3A_143 : vector<4096x128xi1>
        %not3A_145 = arith.constant dense<true> : vector<4096x128xi1>
        %not3A_146 = arith.xori %eq3A_129, %not3A_145 : vector<4096x128xi1>
        %eq3A_147 = arith.xori %not3A_146, %eq3A_81 : vector<4096x128xi1>
        %eq3A_148 = arith.constant dense<true> : vector<4096x128xi1>
        %eq3A_149 = arith.xori %eq3A_147, %eq3A_148 : vector<4096x128xi1>
        %eq3A_150 = arith.xori %or3A_144, %eq3A_149 : vector<4096x128xi1>
        %eq3A_151 = arith.constant dense<true> : vector<4096x128xi1>
        %eq3A_152 = arith.xori %eq3A_150, %eq3A_151 : vector<4096x128xi1>
        %select_n3A_153 = arith.select %eq3A_152, %while3A_112, %select_n3A_134 : vector<4096x128xi1>, vector<4096x128xf32>
        %select_n3A_154 = arith.select %eq3A_152, %while3A_113, %select_n3A_139 : vector<4096x128xi1>, vector<4096x128xi32>
        scf.yield %select_n3A_153, %select_n3A_154 : vector<4096x128xf32>, vector<4096x128xi32>
      }
      %while3A_94 = arith.constant 1 : i32
      %while3A_95:2 = scf.for %while3A_111 = %while3A_91 to %while3A_87 step %while3A_94 iter_args(%while3A_112 = %while3A_93#0, %while3A_113 = %while3A_93#1) -> (vector<4096x128xf32>, vector<4096x128xi32>)  : i32 {
        %sub3A_114 = arith.constant 1 : i32
        %sub3A_115 = arith.subi %scan3A_61, %sub3A_114 : i32
        %sub3A_116 = arith.subi %sub3A_115, %while3A_111 : i32
        %sub3A_117 = arith.constant 5 : i32
        %sub3A_118 = arith.subi %sub3A_116, %sub3A_117 : i32
        %shift_left3A = arith.constant 1 : i32
        %shift_left3A_119 = arith.shli %shift_left3A, %sub3A_118 : i32
        %sub3A_120 = arith.constant 5 : i32
        %sub3A_121 = arith.subi %sub3A_116, %sub3A_120 : i32
        %shift_right_arithmetic3A_122 = vector.broadcast %sub3A_121 : i32 to vector<4096x128xi32>
        %shift_right_arithmetic3A_123 = arith.shrsi %iota3A, %shift_right_arithmetic3A_122 : vector<4096x128xi32>
        %and3A_124 = arith.constant 1 : i32
        %and3A_125 = vector.broadcast %and3A_124 : i32 to vector<4096x128xi32>
        %and3A_126 = arith.andi %shift_right_arithmetic3A_123, %and3A_125 : vector<4096x128xi32>
        %eq3A_127 = arith.constant 1 : i32
        %eq3A_128 = vector.broadcast %eq3A_127 : i32 to vector<4096x128xi32>
        %eq3A_129 = arith.cmpi eq, %and3A_126, %eq3A_128 : vector<4096x128xi32>
        %sub3A_130 = arith.constant 4096 : i32
        %sub3A_131 = arith.subi %sub3A_130, %shift_left3A_119 : i32
        %roll3A_132 = tpu.dynamic_rotate %while3A_112 by %sub3A_131 dim 0 : vector<4096x128xf32>, i32 -> vector<4096x128xf32>
        %roll3A_133 = tpu.dynamic_rotate %while3A_112 by %shift_left3A_119 dim 0 : vector<4096x128xf32>, i32 -> vector<4096x128xf32>
        %select_n3A_134 = arith.select %eq3A_129, %roll3A_133, %roll3A_132 : vector<4096x128xi1>, vector<4096x128xf32>
        %sub3A_135 = arith.constant 4096 : i32
        %sub3A_136 = arith.subi %sub3A_135, %shift_left3A_119 : i32
        %roll3A_137 = tpu.dynamic_rotate %while3A_113 by %sub3A_136 dim 0 : vector<4096x128xi32>, i32 -> vector<4096x128xi32>
        %roll3A_138 = tpu.dynamic_rotate %while3A_113 by %shift_left3A_119 dim 0 : vector<4096x128xi32>, i32 -> vector<4096x128xi32>
        %select_n3A_139 = arith.select %eq3A_129, %roll3A_138, %roll3A_137 : vector<4096x128xi1>, vector<4096x128xi32>
        %gt3A_140 = arith.cmpf ogt, %while3A_112, %select_n3A_134 : vector<4096x128xf32>
        %eq3A_141 = arith.cmpf oeq, %while3A_112, %select_n3A_134 : vector<4096x128xf32>
        %lt3A_142 = arith.cmpi slt, %while3A_113, %select_n3A_139 : vector<4096x128xi32>
        %and3A_143 = arith.andi %eq3A_141, %lt3A_142 : vector<4096x128xi1>
        %or3A_144 = arith.ori %gt3A_140, %and3A_143 : vector<4096x128xi1>
        %not3A_145 = arith.constant dense<true> : vector<4096x128xi1>
        %not3A_146 = arith.xori %eq3A_129, %not3A_145 : vector<4096x128xi1>
        %eq3A_147 = arith.xori %not3A_146, %eq3A_81 : vector<4096x128xi1>
        %eq3A_148 = arith.constant dense<true> : vector<4096x128xi1>
        %eq3A_149 = arith.xori %eq3A_147, %eq3A_148 : vector<4096x128xi1>
        %eq3A_150 = arith.xori %or3A_144, %eq3A_149 : vector<4096x128xi1>
        %eq3A_151 = arith.constant dense<true> : vector<4096x128xi1>
        %eq3A_152 = arith.xori %eq3A_150, %eq3A_151 : vector<4096x128xi1>
        %select_n3A_153 = arith.select %eq3A_152, %while3A_112, %select_n3A_134 : vector<4096x128xi1>, vector<4096x128xf32>
        %select_n3A_154 = arith.select %eq3A_152, %while3A_113, %select_n3A_139 : vector<4096x128xi1>, vector<4096x128xi32>
        scf.yield %select_n3A_153, %select_n3A_154 : vector<4096x128xf32>, vector<4096x128xi32>
      }
      %min3A_96 = arith.constant 5 : i32
      %min3A_97 = arith.minsi %scan3A_61, %min3A_96 : i32
      %sub3A_98 = arith.constant 5 : i32
      %sub3A_99 = arith.subi %sub3A_98, %min3A_97 : i32
      %while3A_100 = arith.constant 5 : i32
      %while3A_101 = arith.subi %while3A_100, %sub3A_99 : i32
      %while3A_102 = arith.addi %sub3A_99, %while3A_101 : i32
      %while3A_103 = arith.constant 1 : i32
      %while3A_104 = arith.divsi %while3A_101, %while3A_103 : i32
      %while3A_105 = arith.muli %while3A_104, %while3A_103 : i32
      %while3A_106 = arith.addi %sub3A_99, %while3A_105 : i32
      %while3A_107 = arith.constant 1 : i32
      %while3A_108:2 = scf.for %while3A_111 = %sub3A_99 to %while3A_106 step %while3A_107 iter_args(%while3A_112 = %while3A_95#0, %while3A_113 = %while3A_95#1) -> (vector<4096x128xf32>, vector<4096x128xi32>)  : i32 {
        %sub3A_114 = arith.constant 4 : i32
        %sub3A_115 = arith.subi %sub3A_114, %while3A_111 : i32
        %shift_left3A = arith.constant 1 : i32
        %shift_left3A_116 = arith.shli %shift_left3A, %sub3A_115 : i32
        %shift_right_arithmetic3A_117 = vector.broadcast %sub3A_115 : i32 to vector<4096x128xi32>
        %shift_right_arithmetic3A_118 = arith.shrsi %and3A_4, %shift_right_arithmetic3A_117 : vector<4096x128xi32>
        %and3A_119 = arith.constant 1 : i32
        %and3A_120 = vector.broadcast %and3A_119 : i32 to vector<4096x128xi32>
        %and3A_121 = arith.andi %shift_right_arithmetic3A_118, %and3A_120 : vector<4096x128xi32>
        %eq3A_122 = arith.constant 1 : i32
        %eq3A_123 = vector.broadcast %eq3A_122 : i32 to vector<4096x128xi32>
        %eq3A_124 = arith.cmpi eq, %and3A_121, %eq3A_123 : vector<4096x128xi32>
        %sub3A_125 = arith.constant 128 : i32
        %sub3A_126 = arith.subi %sub3A_125, %shift_left3A_116 : i32
        %roll3A_127 = tpu.dynamic_rotate %while3A_112 by %sub3A_126 dim 1 : vector<4096x128xf32>, i32 -> vector<4096x128xf32>
        %roll3A_128 = tpu.dynamic_rotate %while3A_112 by %shift_left3A_116 dim 1 : vector<4096x128xf32>, i32 -> vector<4096x128xf32>
        %select_n3A_129 = arith.select %eq3A_124, %roll3A_128, %roll3A_127 : vector<4096x128xi1>, vector<4096x128xf32>
        %sub3A_130 = arith.constant 128 : i32
        %sub3A_131 = arith.subi %sub3A_130, %shift_left3A_116 : i32
        %roll3A_132 = tpu.dynamic_rotate %while3A_113 by %sub3A_131 dim 1 : vector<4096x128xi32>, i32 -> vector<4096x128xi32>
        %roll3A_133 = tpu.dynamic_rotate %while3A_113 by %shift_left3A_116 dim 1 : vector<4096x128xi32>, i32 -> vector<4096x128xi32>
        %select_n3A_134 = arith.select %eq3A_124, %roll3A_133, %roll3A_132 : vector<4096x128xi1>, vector<4096x128xi32>
        %gt3A_135 = arith.cmpf ogt, %while3A_112, %select_n3A_129 : vector<4096x128xf32>
        %eq3A_136 = arith.cmpf oeq, %while3A_112, %select_n3A_129 : vector<4096x128xf32>
        %lt3A_137 = arith.cmpi slt, %while3A_113, %select_n3A_134 : vector<4096x128xi32>
        %and3A_138 = arith.andi %eq3A_136, %lt3A_137 : vector<4096x128xi1>
        %or3A_139 = arith.ori %gt3A_135, %and3A_138 : vector<4096x128xi1>
        %not3A_140 = arith.constant dense<true> : vector<4096x128xi1>
        %not3A_141 = arith.xori %eq3A_124, %not3A_140 : vector<4096x128xi1>
        %eq3A_142 = arith.xori %not3A_141, %eq3A_81 : vector<4096x128xi1>
        %eq3A_143 = arith.constant dense<true> : vector<4096x128xi1>
        %eq3A_144 = arith.xori %eq3A_142, %eq3A_143 : vector<4096x128xi1>
        %eq3A_145 = arith.xori %or3A_139, %eq3A_144 : vector<4096x128xi1>
        %eq3A_146 = arith.constant dense<true> : vector<4096x128xi1>
        %eq3A_147 = arith.xori %eq3A_145, %eq3A_146 : vector<4096x128xi1>
        %select_n3A_148 = arith.select %eq3A_147, %while3A_112, %select_n3A_129 : vector<4096x128xi1>, vector<4096x128xf32>
        %select_n3A_149 = arith.select %eq3A_147, %while3A_113, %select_n3A_134 : vector<4096x128xi1>, vector<4096x128xi32>
        scf.yield %select_n3A_148, %select_n3A_149 : vector<4096x128xf32>, vector<4096x128xi32>
      }
      %while3A_109 = arith.constant 1 : i32
      %while3A_110:2 = scf.for %while3A_111 = %while3A_106 to %while3A_102 step %while3A_109 iter_args(%while3A_112 = %while3A_108#0, %while3A_113 = %while3A_108#1) -> (vector<4096x128xf32>, vector<4096x128xi32>)  : i32 {
        %sub3A_114 = arith.constant 4 : i32
        %sub3A_115 = arith.subi %sub3A_114, %while3A_111 : i32
        %shift_left3A = arith.constant 1 : i32
        %shift_left3A_116 = arith.shli %shift_left3A, %sub3A_115 : i32
        %shift_right_arithmetic3A_117 = vector.broadcast %sub3A_115 : i32 to vector<4096x128xi32>
        %shift_right_arithmetic3A_118 = arith.shrsi %and3A_4, %shift_right_arithmetic3A_117 : vector<4096x128xi32>
        %and3A_119 = arith.constant 1 : i32
        %and3A_120 = vector.broadcast %and3A_119 : i32 to vector<4096x128xi32>
        %and3A_121 = arith.andi %shift_right_arithmetic3A_118, %and3A_120 : vector<4096x128xi32>
        %eq3A_122 = arith.constant 1 : i32
        %eq3A_123 = vector.broadcast %eq3A_122 : i32 to vector<4096x128xi32>
        %eq3A_124 = arith.cmpi eq, %and3A_121, %eq3A_123 : vector<4096x128xi32>
        %sub3A_125 = arith.constant 128 : i32
        %sub3A_126 = arith.subi %sub3A_125, %shift_left3A_116 : i32
        %roll3A_127 = tpu.dynamic_rotate %while3A_112 by %sub3A_126 dim 1 : vector<4096x128xf32>, i32 -> vector<4096x128xf32>
        %roll3A_128 = tpu.dynamic_rotate %while3A_112 by %shift_left3A_116 dim 1 : vector<4096x128xf32>, i32 -> vector<4096x128xf32>
        %select_n3A_129 = arith.select %eq3A_124, %roll3A_128, %roll3A_127 : vector<4096x128xi1>, vector<4096x128xf32>
        %sub3A_130 = arith.constant 128 : i32
        %sub3A_131 = arith.subi %sub3A_130, %shift_left3A_116 : i32
        %roll3A_132 = tpu.dynamic_rotate %while3A_113 by %sub3A_131 dim 1 : vector<4096x128xi32>, i32 -> vector<4096x128xi32>
        %roll3A_133 = tpu.dynamic_rotate %while3A_113 by %shift_left3A_116 dim 1 : vector<4096x128xi32>, i32 -> vector<4096x128xi32>
        %select_n3A_134 = arith.select %eq3A_124, %roll3A_133, %roll3A_132 : vector<4096x128xi1>, vector<4096x128xi32>
        %gt3A_135 = arith.cmpf ogt, %while3A_112, %select_n3A_129 : vector<4096x128xf32>
        %eq3A_136 = arith.cmpf oeq, %while3A_112, %select_n3A_129 : vector<4096x128xf32>
        %lt3A_137 = arith.cmpi slt, %while3A_113, %select_n3A_134 : vector<4096x128xi32>
        %and3A_138 = arith.andi %eq3A_136, %lt3A_137 : vector<4096x128xi1>
        %or3A_139 = arith.ori %gt3A_135, %and3A_138 : vector<4096x128xi1>
        %not3A_140 = arith.constant dense<true> : vector<4096x128xi1>
        %not3A_141 = arith.xori %eq3A_124, %not3A_140 : vector<4096x128xi1>
        %eq3A_142 = arith.xori %not3A_141, %eq3A_81 : vector<4096x128xi1>
        %eq3A_143 = arith.constant dense<true> : vector<4096x128xi1>
        %eq3A_144 = arith.xori %eq3A_142, %eq3A_143 : vector<4096x128xi1>
        %eq3A_145 = arith.xori %or3A_139, %eq3A_144 : vector<4096x128xi1>
        %eq3A_146 = arith.constant dense<true> : vector<4096x128xi1>
        %eq3A_147 = arith.xori %eq3A_145, %eq3A_146 : vector<4096x128xi1>
        %select_n3A_148 = arith.select %eq3A_147, %while3A_112, %select_n3A_129 : vector<4096x128xi1>, vector<4096x128xf32>
        %select_n3A_149 = arith.select %eq3A_147, %while3A_113, %select_n3A_134 : vector<4096x128xi1>, vector<4096x128xi32>
        scf.yield %select_n3A_148, %select_n3A_149 : vector<4096x128xf32>, vector<4096x128xi32>
      }
      scf.yield %while3A_110#0, %while3A_110#1 : vector<4096x128xf32>, vector<4096x128xi32>
    }
    %scan3A_11 = arith.constant 16 : i32
    %shift_right_arithmetic3A = arith.constant 11 : i32
    %shift_right_arithmetic3A_12 = vector.broadcast %shift_right_arithmetic3A : i32 to vector<4096x128xi32>
    %shift_right_arithmetic3A_13 = arith.shrsi %iota3A, %shift_right_arithmetic3A_12 : vector<4096x128xi32>
    %and3A_14 = arith.constant 1 : i32
    %and3A_15 = vector.broadcast %and3A_14 : i32 to vector<4096x128xi32>
    %and3A_16 = arith.andi %shift_right_arithmetic3A_13, %and3A_15 : vector<4096x128xi32>
    %eq3A = arith.constant 1 : i32
    %eq3A_17 = vector.broadcast %eq3A : i32 to vector<4096x128xi32>
    %eq3A_18 = arith.cmpi eq, %and3A_16, %eq3A_17 : vector<4096x128xi32>
    %roll3A = arith.constant 2048 : i32
    %roll3A_19 = tpu.dynamic_rotate %scan3A_10#0 by %roll3A dim 0 : vector<4096x128xf32>, i32 -> vector<4096x128xf32>
    %roll3A_20 = arith.constant 2048 : i32
    %roll3A_21 = tpu.dynamic_rotate %scan3A_10#0 by %roll3A_20 dim 0 : vector<4096x128xf32>, i32 -> vector<4096x128xf32>
    %select_n3A = arith.select %eq3A_18, %roll3A_21, %roll3A_19 : vector<4096x128xi1>, vector<4096x128xf32>
    %roll3A_22 = arith.constant 2048 : i32
    %roll3A_23 = tpu.dynamic_rotate %scan3A_10#1 by %roll3A_22 dim 0 : vector<4096x128xi32>, i32 -> vector<4096x128xi32>
    %roll3A_24 = arith.constant 2048 : i32
    %roll3A_25 = tpu.dynamic_rotate %scan3A_10#1 by %roll3A_24 dim 0 : vector<4096x128xi32>, i32 -> vector<4096x128xi32>
    %select_n3A_26 = arith.select %eq3A_18, %roll3A_25, %roll3A_23 : vector<4096x128xi1>, vector<4096x128xi32>
    %gt3A = arith.cmpf ogt, %scan3A_10#0, %select_n3A : vector<4096x128xf32>
    %eq3A_27 = arith.cmpf oeq, %scan3A_10#0, %select_n3A : vector<4096x128xf32>
    %lt3A = arith.cmpi slt, %scan3A_10#1, %select_n3A_26 : vector<4096x128xi32>
    %and3A_28 = arith.andi %eq3A_27, %lt3A : vector<4096x128xi1>
    %or3A = arith.ori %gt3A, %and3A_28 : vector<4096x128xi1>
    %not3A = arith.constant dense<true> : vector<4096x128xi1>
    %not3A_29 = arith.xori %eq3A_18, %not3A : vector<4096x128xi1>
    %eq3A_30 = arith.constant true
    %eq3A_31 = vector.broadcast %eq3A_30 : i1 to vector<4096x128xi1>
    %eq3A_32 = vector.broadcast %eq3A_31 : vector<4096x128xi1> to vector<4096x128xi1>
    %eq3A_33 = arith.xori %not3A_29, %eq3A_32 : vector<4096x128xi1>
    %eq3A_34 = arith.constant dense<true> : vector<4096x128xi1>
    %eq3A_35 = arith.xori %eq3A_33, %eq3A_34 : vector<4096x128xi1>
    %eq3A_36 = arith.xori %or3A, %eq3A_35 : vector<4096x128xi1>
    %eq3A_37 = arith.constant dense<true> : vector<4096x128xi1>
    %eq3A_38 = arith.xori %eq3A_36, %eq3A_37 : vector<4096x128xi1>
    %select_n3A_39 = arith.select %eq3A_38, %scan3A_10#0, %select_n3A : vector<4096x128xi1>, vector<4096x128xf32>
    %select_n3A_40 = arith.select %eq3A_38, %scan3A_10#1, %select_n3A_26 : vector<4096x128xi1>, vector<4096x128xi32>
    %slice3A = vector.extract_strided_slice %select_n3A_39 {offsets = [0, 0], sizes = [2048, 128], strides = [1, 1]} : vector<4096x128xf32> to vector<2048x128xf32>
    %slice3A_41 = vector.extract_strided_slice %select_n3A_40 {offsets = [0, 0], sizes = [2048, 128], strides = [1, 1]} : vector<4096x128xi32> to vector<2048x128xi32>
    %slice3A_42 = vector.extract_strided_slice %iota3A {offsets = [0, 0], sizes = [2048, 128], strides = [1, 1]} : vector<4096x128xi32> to vector<2048x128xi32>
    %slice3A_43 = vector.extract_strided_slice %and3A_4 {offsets = [0, 0], sizes = [2048, 128], strides = [1, 1]} : vector<4096x128xi32> to vector<2048x128xi32>
    %scan3A_44 = arith.constant 0 : i32
    %scan3A_45 = arith.constant 11 : i32
    %scan3A_46 = arith.addi %scan3A_44, %scan3A_45 : i32
    %scan3A_47 = arith.constant 1 : i32
    %scan3A_48:2 = scf.for %scan3A_61 = %scan3A_44 to %scan3A_46 step %scan3A_47 iter_args(%scan3A_62 = %slice3A, %scan3A_63 = %slice3A_41) -> (vector<2048x128xf32>, vector<2048x128xi32>)  : i32 {
      %sub3A = arith.constant 15 : i32
      %sub3A_64 = arith.subi %sub3A, %scan3A_61 : i32
      %sub3A_65 = arith.constant 5 : i32
      %sub3A_66 = arith.subi %sub3A_64, %sub3A_65 : i32
      %shift_left3A = arith.constant 1 : i32
      %shift_left3A_67 = arith.shli %shift_left3A, %sub3A_66 : i32
      %sub3A_68 = arith.constant 5 : i32
      %sub3A_69 = arith.subi %sub3A_64, %sub3A_68 : i32
      %shift_right_arithmetic3A_70 = vector.broadcast %sub3A_69 : i32 to vector<2048x128xi32>
      %shift_right_arithmetic3A_71 = arith.shrsi %slice3A_42, %shift_right_arithmetic3A_70 : vector<2048x128xi32>
      %and3A_72 = arith.constant 1 : i32
      %and3A_73 = vector.broadcast %and3A_72 : i32 to vector<2048x128xi32>
      %and3A_74 = arith.andi %shift_right_arithmetic3A_71, %and3A_73 : vector<2048x128xi32>
      %eq3A_75 = arith.constant 1 : i32
      %eq3A_76 = vector.broadcast %eq3A_75 : i32 to vector<2048x128xi32>
      %eq3A_77 = arith.cmpi eq, %and3A_74, %eq3A_76 : vector<2048x128xi32>
      %sub3A_78 = arith.constant 2048 : i32
      %sub3A_79 = arith.subi %sub3A_78, %shift_left3A_67 : i32
      %roll3A_80 = tpu.dynamic_rotate %scan3A_62 by %sub3A_79 dim 0 : vector<2048x128xf32>, i32 -> vector<2048x128xf32>
      %roll3A_81 = tpu.dynamic_rotate %scan3A_62 by %shift_left3A_67 dim 0 : vector<2048x128xf32>, i32 -> vector<2048x128xf32>
      %select_n3A_82 = arith.select %eq3A_77, %roll3A_81, %roll3A_80 : vector<2048x128xi1>, vector<2048x128xf32>
      %sub3A_83 = arith.constant 2048 : i32
      %sub3A_84 = arith.subi %sub3A_83, %shift_left3A_67 : i32
      %roll3A_85 = tpu.dynamic_rotate %scan3A_63 by %sub3A_84 dim 0 : vector<2048x128xi32>, i32 -> vector<2048x128xi32>
      %roll3A_86 = tpu.dynamic_rotate %scan3A_63 by %shift_left3A_67 dim 0 : vector<2048x128xi32>, i32 -> vector<2048x128xi32>
      %select_n3A_87 = arith.select %eq3A_77, %roll3A_86, %roll3A_85 : vector<2048x128xi1>, vector<2048x128xi32>
      %gt3A_88 = arith.cmpf ogt, %scan3A_62, %select_n3A_82 : vector<2048x128xf32>
      %eq3A_89 = arith.cmpf oeq, %scan3A_62, %select_n3A_82 : vector<2048x128xf32>
      %lt3A_90 = arith.cmpi slt, %scan3A_63, %select_n3A_87 : vector<2048x128xi32>
      %and3A_91 = arith.andi %eq3A_89, %lt3A_90 : vector<2048x128xi1>
      %or3A_92 = arith.ori %gt3A_88, %and3A_91 : vector<2048x128xi1>
      %not3A_93 = arith.constant dense<true> : vector<2048x128xi1>
      %not3A_94 = arith.xori %eq3A_77, %not3A_93 : vector<2048x128xi1>
      %eq3A_95 = arith.constant true
      %eq3A_96 = vector.broadcast %eq3A_95 : i1 to vector<2048x128xi1>
      %eq3A_97 = vector.broadcast %eq3A_96 : vector<2048x128xi1> to vector<2048x128xi1>
      %eq3A_98 = arith.xori %not3A_94, %eq3A_97 : vector<2048x128xi1>
      %eq3A_99 = arith.constant dense<true> : vector<2048x128xi1>
      %eq3A_100 = arith.xori %eq3A_98, %eq3A_99 : vector<2048x128xi1>
      %eq3A_101 = arith.xori %or3A_92, %eq3A_100 : vector<2048x128xi1>
      %eq3A_102 = arith.constant dense<true> : vector<2048x128xi1>
      %eq3A_103 = arith.xori %eq3A_101, %eq3A_102 : vector<2048x128xi1>
      %select_n3A_104 = arith.select %eq3A_103, %scan3A_62, %select_n3A_82 : vector<2048x128xi1>, vector<2048x128xf32>
      %select_n3A_105 = arith.select %eq3A_103, %scan3A_63, %select_n3A_87 : vector<2048x128xi1>, vector<2048x128xi32>
      scf.yield %select_n3A_104, %select_n3A_105 : vector<2048x128xf32>, vector<2048x128xi32>
    }
    %scan3A_49 = arith.constant 11 : i32
    %scan3A_50 = arith.constant 0 : i32
    %scan3A_51 = arith.constant 5 : i32
    %scan3A_52 = arith.addi %scan3A_50, %scan3A_51 : i32
    %scan3A_53 = arith.constant 1 : i32
    %scan3A_54:2 = scf.for %scan3A_61 = %scan3A_50 to %scan3A_52 step %scan3A_53 iter_args(%scan3A_62 = %scan3A_48#0, %scan3A_63 = %scan3A_48#1) -> (vector<2048x128xf32>, vector<2048x128xi32>)  : i32 {
      %sub3A = arith.constant 4 : i32
      %sub3A_64 = arith.subi %sub3A, %scan3A_61 : i32
      %shift_left3A = arith.constant 1 : i32
      %shift_left3A_65 = arith.shli %shift_left3A, %sub3A_64 : i32
      %shift_right_arithmetic3A_66 = vector.broadcast %sub3A_64 : i32 to vector<2048x128xi32>
      %shift_right_arithmetic3A_67 = arith.shrsi %slice3A_43, %shift_right_arithmetic3A_66 : vector<2048x128xi32>
      %and3A_68 = arith.constant 1 : i32
      %and3A_69 = vector.broadcast %and3A_68 : i32 to vector<2048x128xi32>
      %and3A_70 = arith.andi %shift_right_arithmetic3A_67, %and3A_69 : vector<2048x128xi32>
      %eq3A_71 = arith.constant 1 : i32
      %eq3A_72 = vector.broadcast %eq3A_71 : i32 to vector<2048x128xi32>
      %eq3A_73 = arith.cmpi eq, %and3A_70, %eq3A_72 : vector<2048x128xi32>
      %sub3A_74 = arith.constant 128 : i32
      %sub3A_75 = arith.subi %sub3A_74, %shift_left3A_65 : i32
      %roll3A_76 = tpu.dynamic_rotate %scan3A_62 by %sub3A_75 dim 1 : vector<2048x128xf32>, i32 -> vector<2048x128xf32>
      %roll3A_77 = tpu.dynamic_rotate %scan3A_62 by %shift_left3A_65 dim 1 : vector<2048x128xf32>, i32 -> vector<2048x128xf32>
      %select_n3A_78 = arith.select %eq3A_73, %roll3A_77, %roll3A_76 : vector<2048x128xi1>, vector<2048x128xf32>
      %sub3A_79 = arith.constant 128 : i32
      %sub3A_80 = arith.subi %sub3A_79, %shift_left3A_65 : i32
      %roll3A_81 = tpu.dynamic_rotate %scan3A_63 by %sub3A_80 dim 1 : vector<2048x128xi32>, i32 -> vector<2048x128xi32>
      %roll3A_82 = tpu.dynamic_rotate %scan3A_63 by %shift_left3A_65 dim 1 : vector<2048x128xi32>, i32 -> vector<2048x128xi32>
      %select_n3A_83 = arith.select %eq3A_73, %roll3A_82, %roll3A_81 : vector<2048x128xi1>, vector<2048x128xi32>
      %gt3A_84 = arith.cmpf ogt, %scan3A_62, %select_n3A_78 : vector<2048x128xf32>
      %eq3A_85 = arith.cmpf oeq, %scan3A_62, %select_n3A_78 : vector<2048x128xf32>
      %lt3A_86 = arith.cmpi slt, %scan3A_63, %select_n3A_83 : vector<2048x128xi32>
      %and3A_87 = arith.andi %eq3A_85, %lt3A_86 : vector<2048x128xi1>
      %or3A_88 = arith.ori %gt3A_84, %and3A_87 : vector<2048x128xi1>
      %not3A_89 = arith.constant dense<true> : vector<2048x128xi1>
      %not3A_90 = arith.xori %eq3A_73, %not3A_89 : vector<2048x128xi1>
      %eq3A_91 = arith.constant true
      %eq3A_92 = vector.broadcast %eq3A_91 : i1 to vector<2048x128xi1>
      %eq3A_93 = vector.broadcast %eq3A_92 : vector<2048x128xi1> to vector<2048x128xi1>
      %eq3A_94 = arith.xori %not3A_90, %eq3A_93 : vector<2048x128xi1>
      %eq3A_95 = arith.constant dense<true> : vector<2048x128xi1>
      %eq3A_96 = arith.xori %eq3A_94, %eq3A_95 : vector<2048x128xi1>
      %eq3A_97 = arith.xori %or3A_88, %eq3A_96 : vector<2048x128xi1>
      %eq3A_98 = arith.constant dense<true> : vector<2048x128xi1>
      %eq3A_99 = arith.xori %eq3A_97, %eq3A_98 : vector<2048x128xi1>
      %select_n3A_100 = arith.select %eq3A_99, %scan3A_62, %select_n3A_78 : vector<2048x128xi1>, vector<2048x128xf32>
      %select_n3A_101 = arith.select %eq3A_99, %scan3A_63, %select_n3A_83 : vector<2048x128xi1>, vector<2048x128xi32>
      scf.yield %select_n3A_100, %select_n3A_101 : vector<2048x128xf32>, vector<2048x128xi32>
    }
    %scan3A_55 = arith.constant 5 : i32
    %swap3A = arith.constant 0 : index
    %swap3A_56 = arith.constant 0 : index
    %swap3A_57 = vector.load %arg1[%swap3A, %swap3A_56] : memref<2048x128xf32, #tpu.memory_space<vmem>>, vector<2048x128xf32>
    tpu.vector_store %arg1[%swap3A, %swap3A_56], %scan3A_54#0 {strides = array<i32>} : memref<2048x128xf32, #tpu.memory_space<vmem>>, vector<2048x128xf32>,
    %swap3A_58 = arith.constant 0 : index
    %swap3A_59 = arith.constant 0 : index
    %swap3A_60 = vector.load %arg2[%swap3A_58, %swap3A_59] : memref<2048x128xi32, #tpu.memory_space<vmem>>, vector<2048x128xi32>
    tpu.vector_store %arg2[%swap3A_58, %swap3A_59], %scan3A_54#1 {strides = array<i32>} : memref<2048x128xi32, #tpu.memory_space<vmem>>, vector<2048x128xi32>,
    return
  }
}

</mosaic_0001>

<sc_bundles>
// kernel: kernel.5.cloned.1.call-start
scs
__scs_entry_jumppad:
0x0: {  	(pc) =	sbr.rel $0x88, $3  }
0x1: {  	(tag) =	ssettag $0x0;
	lr =	simm.s32 $0x1  }
0x2: {  	[smem:$0x3F9E] =	sst lr;
	_ =	strace $0xD0000000  }
0x3: {  	_ = 	snop  }
0x4: {  	_ = 	snop  }
0x5: {  	_ = 	snop  }
0x6: {  	_ = 	snop  }
0x7: {  	_ = 	snop  }
__scs_overlays_trampoline_lowered:
0x8: {  	[smem:$0x3FAD] =	sst s0  }
0x9: {  	[smem:$0x3FAE] =	sst s1  }
0xa: {  	[smem:$0x3FAF] =	sst s2  }
0xb: {  	[smem:$0x3FB0] =	sst s3  }
0xc: {  	[smem:$0x3FB1] =	sst s4  }
0xd: {  	[smem:$0x3FB2] =	sst s5  }
0xe: {  	[smem:$0x3FB3] =	sst s6  }
0xf: {  	[smem:$0x3FB4] =	sst s7  }
0x10: {  	[smem:$0x3FB5] =	sst s8  }
0x11: {  	[smem:$0x3FB6] =	sst s9;
	s0 =	simm.s32 @!p0 $0x0  }
0x12: {  	s1 =	sld [smem:$0x3F9C];
	s0 =	simm.s32 @p0 $0x1  }
0x13: {  	[smem:$0x3FB7] =	sst s0;
	s0 =	simm.s32 @!p1 $0x0  }
0x14: {  	s2 =	sld [smem:$0x3F9B];
	s0 =	simm.s32 @p1 $0x1  }
0x15: {  	[smem:$0x3FB8] =	sst s0;
	s0 =	simm.s32 @!p2 $0x0  }
0x16: {  	s3 =	sld [smem:$0x3FDB];
	s0 =	simm.s32 @p2 $0x1  }
0x17: {  	s4 =	simm.s32 $0x1BF5;
	[smem:$0x3FBA] =	sst s0  }
0x18: {  	s0 =	sld [smem:$0x3F9D];
	_ =	swait.ge [sflag:s4], $0x0  }
0x19: {  	s7 =	sld [smem:$0x3F9E]  }
0x1a: {  	s8 =	sadd.s32 $0xFFFFE003, lr  }
0x1b: {  	s9 =	sadd.s32 $0xFFFFFEF7, lr;
	s5 =	simm.s32 $0xFFFFFFFF;
	p2 =	slt.u32 s8, $0xFFFFF086  }
0x1c: {  	p1 =	slt.u32 s9, $0xF7A;
	s5 =	simm.s32 @!p2 $0x0  }
0x1d: {  	s5 =	simm.s32 @p1 $0x1;
	p0 =	seq.s32 s7, s2  }
0x1e: {  	s7 =	smul.u32 @!p0 $0xF7A, s2;
	p2 =	seq.s32 @!p0 s5, $0x0  }
0x1f: {  	s9 =	smul.u32 $0xF7A, s1;
	s8 =	simm.s32 @!p0 $0x1BF5;
	p2 =	por !p2, p0  }
0x20: {  	[sflag:s8] =	ssyncset.s32 @!p0 $0xFFFFF086;
	s6 =	sadd.s32 @!p0 s3, s7;
	s7 =	simm.s32 @!p0 $0x108  }
0x21: {  	s3 =	sadd.s32 s3, s9;
	s6 =	sadd.s32 @!p0 $0x88, s6;
	s7 =	simm.s32 @p2 $0x1082  }
0x22: {  	[simem:s7], [sflag:s8] =	dma.local @!p0 [hbm:s6], $0xF7A  }
0x23: {  	s9 =	sor.u32 $0xD0000000, s2;
	s6 =	simm.s32 $0x108;
	_ =	swait.ge @!p0 [sflag:s8], $0x0  }
0x24: {  	s3 =	sadd.s32 $0x88, s3;
	s6 =	simm.s32 @!p1 $0x1082;
	[sflag:s4] =	ssyncset.s32 $0xFFFFF086  }
0x25: {  	[simem:s6], [sflag:s4] =	dma.local [hbm:s3], $0xF7A  }
0x26: {  	[smem:$0x3F9E] =	sst s1;
	(tag) =	ssettag s2;
	_ =	strace s9  }
0x27: {  	s1 =	sld [smem:$0x3FAE]  }
0x28: {  	s2 =	sld [smem:$0x3FAF]  }
0x29: {  	s4 =	sld [smem:$0x3FB1]  }
0x2a: {  	p0 =	seq.s32 s5, $0x0;
	s5 =	sld [smem:$0x3FB2]  }
0x2b: {  	s6 =	sld [smem:$0x3FB3]  }
0x2c: {  	s7 =	sld [smem:$0x3FB4]  }
0x2d: {  	s3 =	simm.s32 $0x108;
	s8 =	sld [smem:$0x3FB5]  }
0x2e: {  	s3 =	simm.s32 @!p0 $0x1082;
	s9 =	sld [smem:$0x3FB6]  }
0x2f: {  	lr =	sadd.s32 s0, s3;
	s0 =	sld [smem:$0x3FAD]  }
0x30: {  	s3 =	sld [smem:$0x3FB0]  }
0x31: {  	[smem:$0x3FB9] =	sst s10  }
0x32: {  	s10 =	sld [smem:$0x3FB7];
	_ =	sdelay $0x3  }
0x33: {  	p0 =	seq.s32 s10, $0x1;
	s10 =	sld [smem:$0x3FB9];
	_ =	sdelay $0x3  }
0x34: {  	[smem:$0x3FB9] =	sst s10  }
0x35: {  	s10 =	sld [smem:$0x3FB8];
	_ =	sdelay $0x3  }
0x36: {  	p1 =	seq.s32 s10, $0x1;
	s10 =	sld [smem:$0x3FB9];
	_ =	sdelay $0x3  }
0x37: {  	[smem:$0x3FB9] =	sst s10  }
0x38: {  	s10 =	sld [smem:$0x3FBA]  }
0x39: {  	_ = 	snop;
	(pc) =	sbr.ind lr, $3  }
0x3a: {  	_ = 	snop  }
0x3b: {  	_ = 	snop  }
0x3c: {  	p2 =	seq.s32 s10, $0x1;
	s10 =	sld [smem:$0x3FB9]  }
0x3d: {  	_ =	shalt  }
0x3e: {  	_ =	shalt  }
0x3f: {  	_ =	shalt  }
0x40: {  	_ =	shalt  }
0x41: {  	_ =	shalt  }
0x42: {  	_ =	shalt  }
0x43: {  	_ =	shalt  }
0x44: {  	_ =	shalt  }
0x45: {  	_ =	shalt  }
0x46: {  	_ =	shalt  }
0x47: {  	_ =	shalt  }
0x48: {  	_ =	shalt  }
0x49: {  	_ =	shalt  }
0x4a: {  	_ =	shalt  }
0x4b: {  	_ =	shalt  }
0x4c: {  	_ =	shalt  }
0x4d: {  	_ =	shalt  }
0x4e: {  	_ =	shalt  }
0x4f: {  	_ =	shalt  }
0x50: {  	_ =	shalt  }
0x51: {  	_ =	shalt  }
0x52: {  	_ =	shalt  }
0x53: {  	_ =	shalt  }
0x54: {  	_ =	shalt  }
0x55: {  	_ =	shalt  }
0x56: {  	_ =	shalt  }
0x57: {  	_ =	shalt  }
0x58: {  	_ =	shalt  }
0x59: {  	_ =	shalt  }
0x5a: {  	_ =	shalt  }
0x5b: {  	_ =	shalt  }
0x5c: {  	_ =	shalt  }
0x5d: {  	_ =	shalt  }
0x5e: {  	_ =	shalt  }
0x5f: {  	_ =	shalt  }
0x60: {  	_ =	shalt  }
0x61: {  	_ =	shalt  }
0x62: {  	_ =	shalt  }
0x63: {  	_ =	shalt  }
0x64: {  	_ =	shalt  }
0x65: {  	_ =	shalt  }
0x66: {  	_ =	shalt  }
0x67: {  	_ =	shalt  }
0x68: {  	_ =	shalt  }
0x69: {  	_ =	shalt  }
0x6a: {  	_ =	shalt  }
0x6b: {  	_ =	shalt  }
0x6c: {  	_ =	shalt  }
0x6d: {  	_ =	shalt  }
0x6e: {  	_ =	shalt  }
0x6f: {  	_ =	shalt  }
0x70: {  	_ =	shalt  }
0x71: {  	_ =	shalt  }
0x72: {  	_ =	shalt  }
0x73: {  	_ =	shalt  }
0x74: {  	_ =	shalt  }
0x75: {  	_ =	shalt  }
0x76: {  	_ =	shalt  }
0x77: {  	_ =	shalt  }
0x78: {  	_ =	shalt  }
0x79: {  	_ =	shalt  }
0x7a: {  	_ =	shalt  }
0x7b: {  	_ =	shalt  }
0x7c: {  	_ =	shalt  }
0x7d: {  	_ =	shalt  }
0x7e: {  	_ =	shalt  }
0x7f: {  	_ =	shalt  }
0x80: {  	_ =	shalt  }
0x81: {  	_ =	shalt  }
0x82: {  	_ =	shalt  }
0x83: {  	_ =	shalt  }
0x84: {  	_ =	shalt  }
0x85: {  	_ =	shalt  }
0x86: {  	_ =	shalt  }
0x87: {  	_ =	shalt  }
.Lfunc_end0:
.L_simem_size_0:
called_computation_lowered:
.L_overlay_start_0:
0x88: {  	s2 =	sld [smem:$0x3FD9]  }
0x89: {  	s3 =	sld [smem:$0x3FFE];
	_ =	sdelay $0x1  }
0x8a: {  	s1 =	srdreg.scid  }
0x8b: {  	s0 =	sand.u32 $0x1, s1  }
0x8c: {  	s17 =	sshll.u32 s0, $0xA;
	s2 =	sadd.s32 s3, s2  }
0x8d: {  	s2 =	sadd.s32 s2, s17  }
0x8e: {  	[smem:$0x3FC5] =	sst s2  }
0x8f: {  	_ = 	snop  }
0x90: {  	s2 =	sld [smem:$0x3FD0];
	(tm) =	ssettm $0x1  }
0x91: {  	s18 =	sld [smem:$0x3FFB];
	_ =	sdelay $0x3  }
0x92: {  	_ =	strace s18  }
0x93: {  	s3 =	sld [smem:$0x3FFC];
	_ =	sdelay $0x3  }
0x94: {  	_ =	strace s3  }
0x95: {  	s3 =	sld [smem:$0x3FFD];
	_ =	sdelay $0x3  }
0x96: {  	_ =	strace s3  }
0x97: {  	_ =	strace $0x8FFFFFFF  }
0x98: {  	s19 =	sld [smem:$0x3FDB];
	_ =	sdelay $0x1  }
0x99: {  	s4 =	simm.s32 $_scs_section_size  }
0x9a: {  	s5 =	simm.s32 $_size__tile_overlayer_lowered;
	s6 =	simm.s32 $_tile_overlayer_lowered  }
0x9b: {  	s22 =	simm.s32 $0x1BFF;
	s21 =	sshll.u32 s6, $0x1;
	s3 =	sadd.s32 s4, s19  }
0x9c: {  	s7 =	simm.s32 $0x0;
	s20 =	sshll.u32 s5, $0x1;
	s5 =	sadd.s32 s21, s3  }
0x9d: {  	[timem:s7], [sflag:s22] =	dma.local [hbm:s5], s20  }
0x9e: {  	_ =	swait.ge [sflag:s22], s20  }
0x9f: {  	s4 =	ssub.s32 $0x0, s20;
	[sflag:s22] =	ssyncset.done $0x0  }
0xa0: {  	[sflag:s22] =	ssyncadd.s32 s4;
	_ =	sdelay $0x1  }
0xa1: {  	s23 =	simm.s32 $0x1B8B  }
0xa2: {  	_ =	swait.ge [sflag:s23], $0x1  }
0xa3: {  	[sflag:s23] =	ssyncset.done $0x0  }
0xa4: {  	s25 =	simm.s32 $0x1B8E;
	s24 =	sld [smem:$0x3FFE];
	[sflag:s23] =	ssyncadd.s32 $0xFFFFFFFF  }
0xa5: {  	s26 =	simm.s32 $execute0_lowered;
	[smem:$0x3FD2] =	sst s25  }
0xa6: {  	s5 =	sshll.u32 s26, $0x1;
	_ =	strace $0x80000046;
	[dreg:$0x1] =	wrdreg $0xFFFFFFFF  }
0xa7: {  	s28 =	simm.s32 $_size_execute0_lowered;
	s3 =	sadd.s32 s3, s5;
	[dreg:$0x0] =	wrdreg $0x0  }
0xa8: {  	s5 =	sshll.u32 s28, $0x1;
	[dreg:$0x2] =	wrdreg s3  }
0xa9: {  	[dreg:$0x3] =	wrdreg s5  }
0xaa: {  	[dreg:$0x4] =	wrdreg $0xC0  }
0xab: {  	_ =	task [dreg:s7], $0x5FFFF  }
0xac: {  	[dreg:$0x1] =	wrdreg $0xFFFFFFFF  }
0xad: {  	[dreg:$0x0] =	wrdreg $0x60  }
0xae: {  	[dreg:$0x2] =	wrdreg s24  }
0xaf: {  	[dreg:$0x3] =	wrdreg s2  }
0xb0: {  	[dreg:$0x4] =	wrdreg $0x9  }
0xb1: {  	_ =	task.clear_ibuf [dreg:s7], $0x5FFFF;
	_ =	strace $0x90000046  }
0xb2: {  	s29 =	simm.s32 $0x9;
	_ =	strace $0x80000048  }
0xb3: {  	_ =	swait.ge [sflag:s29], $0x1  }
0xb4: {  	[sflag:s29] =	ssyncadd.s32 $0xFFFFFFFF  }
0xb5: {  	_ =	strace $0x90000048  }
0xb6: {  	_ =	sfence  }
0xb7: {  	s30 =	sld [smem:$0x0];
	_ =	sdelay $0x2  }
0xb8: {  	s31 =	sshll.u32 s1, $0xD;
	s1 =	sshrl.u32 s1, $0x2  }
0xb9: {  	s3 =	sand.u32 $0x4000, s31;
	s1 =	sadd.s32 s1, s30  }
0xba: {  	s0 =	sor.u32 s3, s0;
	s1 =	sshll.u32 s1, $0x11  }
0xbb: {  	s0 =	sor.u32 s1, s0  }
0xbc: {  	s0 =	sadd.s32 $0x8F2B, s0  }
0xbd: {  	[sflag:s0] =	ssyncadd.remote.s32 $0x1  }
0xbe: {  	_ =	sfence.sel $0xFFFF  }
0xbf: {  	[dreg:$0x0] =	wrdreg $0xFFFFFFFF;
	(pc) =	sbr.abs _section_cstart, $3  }
0xc0: {  	[dreg:$0x1] =	wrdreg $0xFFFFFFFF  }
0xc1: {  	_ =	task.clear_ibuf [dreg:s7], $0x2FFFF;
	_ =	strace $0x9FFFFFFF  }
0xc2: {  	(tm) =	ssettm $0x7FFFFFFF  }
0xc3: {  	_ =	shalt  }
tec
execute0_lowered:
.L_overlay_start_1:
0x0: {  	(tag) =	ssettag $0x1  }
0x1: {  	s6 =	rddreg [dreg:$0x0];
	s1 =	stileid.u32  }
0x2: {  	s2 =	rddreg [dreg:$0x1];
	s28 =	sshrl.u32 s1, $0x2  }
0x3: {  	s0 =	rddreg [dreg:$0x2];
	s9 =	smul.u32 $0xC380, s28  }
0x4: {  	s3 =	simm.s32 $0x0;
	s4 =	srdreg.scid;
	s11 =	smul.u32 $0x186A00, s28  }
0x5: {  	[smem:$0x7FF] =	sst s3;
	s13 =	sand.u32 $0x3, s1;
	s12 =	smul.u32 $0x61A800, s28  }
0x6: {  	s7 =	sand.u32 $0x1, s4;
	s10 =	sshll.u32 s1, $0x1;
	s30 =	smul.u32 $0x190000, s13  }
0x7: {  	s4 =	simm.s32 $0xD;
	_ =	strace $0x80000047;
	s14 =	smul.u32 $0xC8000, s7  }
0x8: {  	s5 =	ssub.s32 $0x2, s7;
	s10 =	sand.u32 $0x6, s10;
	s13 =	smul.u32 $0x3200, s13  }
0x9: {  	s31 =	smul.u32 $0x1900, s7;
	s8 =	sshrl.u32 s5, $0x1;
	s29 =	sor.u32 s7, s10  }
0xa: {  	s8 =	ssub.s32 s5, s8;
	p0 =	seq.s32 s29, $0x7;
	s5 =	sadd.s32 $0x61A800, s6  }
0xb: {  	s6 =	sadd.s32 s6, s11;
	s10 =	sadd.s32 s30, s12;
	s9 =	sadd.s32 s13, s9  }
0xc: {  	s11 =	simm.s32 $0x190;
	s12 =	simm.s32 $0x200;
	s13 =	simm.s32 $0x1  }
0xd: {  	s4 =	simm.s32 @!p0 $0x10;
	s7 =	smax.u32 s8, $0x1;
	s8 =	sadd.s32 s14, s10  }
0xe: {  	s9 =	sadd.s32 s31, s9;
	s10 =	simm.s32 $0x2;
	s14 =	simm.s32 $0x0  }
.LBB2_1:
0xf: {  	p1 =	sne.s32 s4, $0x1  }
.Ltmp0:
0x10: {  	_ = 	snop;
	(pc) =	sbr.rel @!p1 .LBB2_2-.Ltmp0, $2  }
0x11: {  	_ =	sdelay $0x2  }
0x12: {  	s15 =	sadd.s32 $0xFFFFFFFF, s4;
	s18 =	sshrl.u32 s9, $0x3;
	p0 =	por $0x0, $0x0  }
0x13: {  	s16 =	sadd.s32 s5, s18  }
0x14: {  	[tilespmem:s3], [sflag:$0x2] =	stream.linear.gather [hbm4b:s16+s3], $0x190, $0x38;
	[tilespmem:$0xCA00] =	vst v63  }
0x15: {  	_ =	swait.ge [sflag:s10], $0x190  }
0x16: {  	[sflag:s10] =	ssyncset.done $0x0  }
0x17: {  	[sflag:s10] =	ssyncadd.s32 $0xFFFFFE70  }
0x18: {  	[tilespmem:s12], [sflag:$0x1] =	stream.indirect.gather [hbm4b:s6+s11], $0x80, s3, s11, $0xb8;
	[tilespmem:$0xCA00] =	vst v63  }
0x19: {  	p1 =	sne.s32 s15, $0x1;
	_ =	swait.ge [sflag:s13], $0xC800  }
.Ltmp1:
0x1a: {  	s31 =	sshrl.u32 s8, $0x3;
	[sflag:s13] =	ssyncset.done $0x0;
	(pc) =	sbr.rel @!p1 .LBB2_4-.Ltmp1, $4  }
0x1b: {  	s17 =	sadd.s32 $0x190, s9;
	s16 =	sadd.s32 s2, s31;
	[sflag:s13] =	ssyncadd.s32 $0xFFFF3800  }
0x1c: {  	[hbm4b:s16+s3] =	stream.linear.scatter [tilespmem:s12], [sflag:$0x2], $0xC800, $0x38;
	[tilespmem:$0xCA00] =	vst v63  }
0x1d: {  	p0 =	por $0x1, $0x1;
	s18 =	sshrl.u32 s17, $0x3;
	_ =	swait.ge [sflag:s10], $0xC800  }
0x1e: {  	s16 =	sadd.s32 $0xFFFFFFFF, s15;
	s15 =	smov.u32 s8;
	[sflag:s10] =	ssyncset.done $0x0  }
.LBB2_5:
0x1f: {  	s18 =	sadd.s32 s5, s18;
	[sflag:s10] =	ssyncadd.s32 $0xFFFF3800;
	s15 =	sadd.s32 $0xC800, s15  }
0x20: {  	[tilespmem:s3], [sflag:$0x2] =	stream.linear.gather [hbm4b:s18+s3], $0x190, $0x38;
	[tilespmem:$0xCA00] =	vst v63  }
0x21: {  	p1 =	sne.s32 s16, $0x1;
	s16 =	sadd.s32 $0xFFFFFFFF, s16;
	_ =	swait.ge [sflag:s10], $0x190  }
0x22: {  	[sflag:s10] =	ssyncset.done $0x0  }
0x23: {  	[sflag:s10] =	ssyncadd.s32 $0xFFFFFE70  }
0x24: {  	[tilespmem:s12], [sflag:$0x1] =	stream.indirect.gather [hbm4b:s6+s11], $0x80, s3, s11, $0xb8;
	[tilespmem:$0xCA00] =	vst v63  }
0x25: {  	_ =	swait.ge [sflag:s13], $0xC800  }
.Ltmp2:
0x26: {  	s18 =	sshrl.u32 s15, $0x3;
	[sflag:s13] =	ssyncset.done $0x0;
	(pc) =	sbr.rel @p1 .LBB2_5-.Ltmp2, $4  }
0x27: {  	s18 =	sadd.s32 s2, s18;
	[sflag:s13] =	ssyncadd.s32 $0xFFFF3800  }
0x28: {  	[hbm4b:s18+s3] =	stream.linear.scatter [tilespmem:s12], [sflag:$0x2], $0xC800, $0x38;
	[tilespmem:$0xCA00] =	vst v63  }
0x29: {  	s17 =	sadd.s32 $0x190, s17;
	_ =	swait.ge [sflag:s10], $0xC800  }
0x2a: {  	s18 =	sshrl.u32 s17, $0x3;
	[sflag:s10] =	ssyncset.done $0x0  }
.LBB2_6:
0x2b: {  	s16 =	sadd.s32 s5, s18;
	[sflag:s10] =	ssyncadd.s32 @p0 $0xFFFF3800  }
0x2c: {  	[tilespmem:s3], [sflag:$0x2] =	stream.linear.gather [hbm4b:s16+s3], $0x190, $0x38;
	[tilespmem:$0xCA00] =	vst v63  }
0x2d: {  	_ =	swait.ge [sflag:s10], $0x190  }
0x2e: {  	[sflag:s10] =	ssyncset.done $0x0  }
0x2f: {  	s15 =	sadd.s32 @p0 $0xC800, s15;
	s16 =	smov.u32 s8;
	[sflag:s10] =	ssyncadd.s32 $0xFFFFFE70  }
0x30: {  	[tilespmem:s12], [sflag:$0x1] =	stream.indirect.gather [hbm4b:s6+s11], $0x80, s3, s11, $0xb8;
	[tilespmem:$0xCA00] =	vst v63  }
0x31: {  	s16 =	smov.u32 @p0 s15;
	_ =	swait.ge [sflag:s13], $0xC800  }
0x32: {  	s14 =	sadd.s32 $0x1, s14;
	s15 =	sshrl.u32 s16, $0x3;
	[sflag:s13] =	ssyncset.done $0x0  }
0x33: {  	p0 =	sne.s32 s14, s7;
	s15 =	sadd.s32 s2, s15;
	[sflag:s13] =	ssyncadd.s32 $0xFFFF3800  }
0x34: {  	[hbm4b:s15+s3] =	stream.linear.scatter [tilespmem:s12], [sflag:$0x2], $0xC800, $0x38;
	[tilespmem:$0xCA00] =	vst v63  }
.Ltmp3:
0x35: {  	_ = 	snop;
	(pc) =	sbr.rel @p0 .LBB2_1-.Ltmp3, $4  }
.Ltmp4:
0x36: {  	_ = 	snop;
	(pc) =	sbr.rel @!p0 .LBB2_7-.Ltmp4, $4  }
0x37: {  	_ =	swait.ge [sflag:s10], $0xC800  }
0x38: {  	[sflag:s10] =	ssyncset.done $0x0  }
0x39: {  	[sflag:s10] =	ssyncadd.s32 $0xFFFF3800  }
0x3a: {  	_ = 	snop  }
.LBB2_2:
.Ltmp5:
0x3b: {  	(pc) =	sbr.rel .LBB2_6-.Ltmp5, $2  }
0x3c: {  	_ =	sdelay $0x2  }
0x3d: {  	s15 =	smov.u32 s8  }
.LBB2_4:
.Ltmp6:
0x3e: {  	(pc) =	sbr.rel .LBB2_6-.Ltmp6, $2  }
0x3f: {  	_ =	sdelay $0x2  }
0x40: {  	s15 =	smov.u32 s8  }
.LBB2_7:
0x41: {  	_ =	sfence.sel $0x180000  }
0x42: {  	[bflag:$0x0] =	sbarrier.arrive $0xFFFF  }
0x43: {  	p0 =	sne.s32 s1, $0x0;
	_ =	strace $0x90000047  }
0x44: {  	s0 =	sadd.s32 @!p0 $0x100000, s0;
	[bflag:$0x2] =	sbarrier.arrive $0xFFFF  }
0x45: {  	[sflag:s0] =	ssyncadd.tile.s32 @!p0 $0x1;
	_ =	shalt  }
.Lfunc_end2:
_tile_overlayer_lowered:
.L_overlay_start_2:
0x46: {  	(tag) =	ssettag $0x2  }
0x47: {  	s0 =	rddreg [dreg:$0x0];
	s2 =	stileid.u32  }
0x48: {  	s1 =	rddreg [dreg:$0x1];
	p0 =	sne.s32 s2, $0x0  }
0x49: {  	s3 =	rddreg [dreg:$0x2];
	[bflag:$0x3] =	sbarrier.arrive $0xFFFF;
	s2 =	simm.s32 @!p0 $0x1C02  }
0x4a: {  	[timem:s3], [sflag:s2] =	dma.local @!p0 [hbm:s0], s1  }
0x4b: {  	s0 =	simm.s32 @!p0 $0x2  }
0x4c: {  	_ =	swait.ge @!p0 [sflag:s0], s1  }
0x4d: {  	s1 =	ssub.s32 @!p0 $0x0, s1;
	[sflag:s0] =	ssyncset.done @!p0 $0x0  }
0x4e: {  	[sflag:s0] =	ssyncadd.s32 @!p0 s1  }
0x4f: {  	[bflag:$0x3] =	sbarrier.arrive $0xFFFF  }
0x50: {  	_ =	shalt  }

</sc_bundles>
